<compile_context>
chip_gen: v7x
topology: tpu7x:2x2x1
jax: 0.10.2.dev20260603
libtpu: 0.0.44.dev20260713+nightly
codegen_flags: <defaults>
</compile_context>

<pallas_src>
import functools

import jax
import jax.numpy as jnp
from jax import lax
from jax.experimental import pallas as pl
from jax.experimental.pallas import tpu as pltpu
from jax.experimental.pallas import tpu_sc as plsc

N = 5000
NPAD = 5120
CHUNK = NPAD // 16
F = 128
FH = 64
E = 320000
ET = E // 16
EB = 128
K = (ET + EB - 1) // EB
ETP = K * EB
ED_T = (4 * 160000) // 32

_mesh = plsc.VectorSubcoreMesh(
    core_axis_name="c", subcore_axis_name="s", num_cores=2, num_subcores=16)

_f32 = jnp.float32
_i32 = jnp.int32


def _deg_body(didx_hbm, out_hbm, idx_v, hist_v):
    c = lax.axis_index("c")
    s = lax.axis_index("s")
    wid = c * 16 + s
    pltpu.sync_copy(didx_hbm.at[c, s], idx_v)

    zero16 = jnp.zeros((16,), _f32)
    ones16 = jnp.ones((16,), _f32)
    lane = lax.iota(_i32, 16)

    def _zero(i, carry):
        hist_v[pl.ds(i * 16, 16)] = zero16
        return carry
    lax.fori_loop(0, NPAD, _zero, 0)

    def _scat(e, carry):
        ii = idx_v[pl.ds(e * 16, 16)]
        flat = ii + lane * NPAD
        plsc.addupdate_scatter(hist_v, [flat], ones16)
        return carry
    lax.fori_loop(0, ED_T // 16, _scat, 0)

    def _red(v, carry):
        acc = hist_v[pl.ds(v * 16, 16)]
        for b in range(1, 16):
            acc = acc + hist_v[pl.ds(b * NPAD + v * 16, 16)]
        hist_v[pl.ds(v * 16, 16)] = acc
        return carry
    lax.fori_loop(0, NPAD // 16, _red, 0)

    pltpu.sync_copy(hist_v.at[pl.ds(0, NPAD)], out_hbm.at[pl.ds(wid * NPAD, NPAD)])


_deg_kernel = pl.kernel(
    _deg_body,
    out_type=jax.ShapeDtypeStruct((32 * NPAD,), _f32),
    mesh=_mesh,
    compiler_params=pltpu.CompilerParams(needs_layout_passes=False),
    scratch_types=[
        pltpu.VMEM((ED_T,), _i32),
        pltpu.VMEM((16 * NPAD,), _f32),
    ],
)


def _prep_body(ux, bx, uw, ub, bw, bb, degp, fb_o, z0_o, x0_o, db_o):
    x0 = jnp.dot(ux[...], uw[...], preferred_element_type=_f32) + ub[...][None, :]
    fb_o[...] = (jnp.dot(bx[...], bw[...], preferred_element_type=_f32)
                 + bb[...][None, :]) * (1.0 / 3.0)
    deg = jnp.sum(degp[...].reshape(32, NPAD), axis=0)
    dis = jnp.where(deg > 0, 1.0 / jnp.sqrt(deg), 0.0)
    x0p = jnp.concatenate([x0, jnp.zeros((NPAD - N, F), _f32)], axis=0)
    z0p = dis[:, None] * x0p
    z0_o[...] = jnp.concatenate([z0p[:, :FH], z0p[:, FH:]], axis=0)
    x0_o[...] = jnp.concatenate([x0p[:, :FH], x0p[:, FH:]], axis=0)
    db_o[...] = jnp.broadcast_to(dis[:, None], (NPAD, FH))


_prep_call = pl.pallas_call(
    _prep_body,
    out_shape=[
        jax.ShapeDtypeStruct((N, F), _f32),
        jax.ShapeDtypeStruct((2 * NPAD, FH), _f32),
        jax.ShapeDtypeStruct((2 * NPAD, FH), _f32),
        jax.ShapeDtypeStruct((NPAD, FH), _f32),
    ],
)


def _mp_body(z0f, x0f, disb, rowi, coli, fout, z1out,
             rvm, cvm, g0, nA, db, fk, acc):
    c = lax.axis_index("c")
    s = lax.axis_index("s")
    nbase = s * CHUNK
    coff = c * NPAD

    def _fill_zero(ref2d):
        zero16 = jnp.zeros((16,), _f32)
        def body(r, carry):
            for k in range(FH // 16):
                ref2d[r, pl.ds(k * 16, 16)] = zero16
            return carry
        lax.fori_loop(0, CHUNK, body, 0)

    pltpu.sync_copy(rowi.at[c, s], rvm)
    pltpu.sync_copy(coli.at[s], cvm)
    pltpu.sync_copy(x0f.at[pl.ds(coff + nbase, CHUNK)], fk)
    pltpu.sync_copy(disb.at[pl.ds(nbase, CHUNK)], db)
    _fill_zero(nA)
    pltpu.sync_copy(nA, acc.at[pl.ds(nbase, CHUNK)])
    plsc.subcore_barrier()

    def _edge_pass(table_ref):
        def body(j, carry):
            pltpu.sync_copy(table_ref.at[rvm.at[j]], g0)
            pltpu.sync_copy(g0, acc.at[cvm.at[j]], add=True)
            return carry
        lax.fori_loop(0, K, body, 0)

    _edge_pass(z0f)
    plsc.subcore_barrier()

    pltpu.sync_copy(acc.at[pl.ds(nbase, CHUNK)], nA)
    def _node1(r, carry):
        for k in range(FH // 16):
            sl = pl.ds(k * 16, 16)
            a = nA[r, sl]
            d = db[r, sl]
            u = a * d
            fk[r, sl] = fk[r, sl] + u
            nA[r, sl] = u * d
        return carry
    lax.fori_loop(0, CHUNK, _node1, 0)
    pltpu.sync_copy(nA, z1out.at[pl.ds(coff + nbase, CHUNK)])
    _fill_zero(nA)
    pltpu.sync_copy(nA, acc.at[pl.ds(nbase, CHUNK)])
    plsc.subcore_barrier()

    _edge_pass(z1out)
    plsc.subcore_barrier()

    pltpu.sync_copy(acc.at[pl.ds(nbase, CHUNK)], nA)
    def _node2(r, carry):
        for k in range(FH // 16):
            sl = pl.ds(k * 16, 16)
            nA[r, sl] = (fk[r, sl] + nA[r, sl] * db[r, sl]) * (1.0 / 3.0)
        return carry
    lax.fori_loop(0, CHUNK, _node2, 0)
    pltpu.sync_copy(nA, fout.at[pl.ds(coff + nbase, CHUNK)])


_mp_kernel = pl.kernel(
    _mp_body,
    out_type=(
        jax.ShapeDtypeStruct((2 * NPAD, FH), _f32),
        jax.ShapeDtypeStruct((2 * NPAD, FH), _f32),
    ),
    mesh=_mesh,
    compiler_params=pltpu.CompilerParams(
        needs_layout_passes=False, use_tc_tiling_on_sc=False),
    scratch_types=[
        pltpu.VMEM((K, EB), _i32),
        pltpu.VMEM((K, EB), _i32),
        pltpu.VMEM((EB, FH), _f32),
        pltpu.VMEM((CHUNK, FH), _f32),
        pltpu.VMEM((CHUNK, FH), _f32),
        pltpu.VMEM((CHUNK, FH), _f32),
        pltpu.VMEM_SHARED((NPAD, FH), _f32),
    ],
)


def kernel(user_x, book_x, rates_edge_index, likes_edge_index,
           user_W, user_b, book_W, book_b):
    rates_edge_index = rates_edge_index.astype(_i32)
    likes_edge_index = likes_edge_index.astype(_i32)

    didx = jnp.concatenate([
        rates_edge_index[1], likes_edge_index[1],
        rates_edge_index[0], likes_edge_index[0],
    ]).reshape(2, 16, ED_T)

    row = jnp.concatenate([rates_edge_index[0], likes_edge_index[0]])
    col = jnp.concatenate([rates_edge_index[1], likes_edge_index[1]])
    pad = jnp.full((16 * ETP - E,), N, _i32)
    rowp = jnp.concatenate([row, pad]).reshape(16, K, EB)
    colp = jnp.concatenate([col, pad]).reshape(16, K, EB)
    rowi = jnp.stack([rowp, rowp + NPAD])

    deg_parts = _deg_kernel(didx)
    final_book, z0f, x0f, db = _prep_call(
        user_x, book_x, user_W, user_b, book_W, book_b, deg_parts)
    fout, _z1 = _mp_kernel(z0f, x0f, db, rowi, colp)

    final_user = (fout.reshape(2, NPAD, FH)[:, :N, :]
                  .transpose(1, 0, 2).reshape(N, F))
    return (final_user, final_book)

# --- scband reference (transcript-rebuilt; emitter-appended) ---
"""Pipeline reference for scband-user-book-gnn-80590766342424 (READ-ONLY COPY).

The authoritative reference and input builder live on the scoring server;
editing this copy changes nothing except your own understanding.
"""

import jax, jax.numpy as jnp
import numpy as np

NUM_USERS = 5000
NUM_BOOKS = 5000
FEAT = 128
HID = 128
NUM_LAYERS = 2
E_RATES = 160000
E_LIKES = 160000


def setup_inputs(seed: int = 0) -> dict:
    key = jax.random.key(seed)
    ks = jax.random.split(key, 10)
    user_x = jax.random.normal(ks[0], (NUM_USERS, FEAT), dtype=jnp.float32)
    book_x = jax.random.normal(ks[1], (NUM_BOOKS, FEAT), dtype=jnp.float32)
    rates_edge_index = jnp.stack([
        jax.random.randint(ks[2], (E_RATES,), 0, NUM_USERS),
        jax.random.randint(ks[3], (E_RATES,), 0, NUM_BOOKS),
    ], axis=0)
    likes_edge_index = jnp.stack([
        jax.random.randint(ks[4], (E_LIKES,), 0, NUM_USERS),
        jax.random.randint(ks[5], (E_LIKES,), 0, NUM_BOOKS),
    ], axis=0)
    sc = 1.0 / np.sqrt(FEAT)
    user_W = jax.random.normal(ks[6], (FEAT, HID), dtype=jnp.float32) * sc
    user_b = jnp.zeros((HID,), dtype=jnp.float32)
    book_W = jax.random.normal(ks[7], (FEAT, HID), dtype=jnp.float32) * sc
    book_b = jnp.zeros((HID,), dtype=jnp.float32)
    return {
        'user_x': user_x, 'book_x': book_x,
        'rates_edge_index': rates_edge_index, 'likes_edge_index': likes_edge_index,
        'user_W': user_W, 'user_b': user_b, 'book_W': book_W, 'book_b': book_b,
    }


def _lightgcn_conv(x, row, col, num_nodes):
    # degree over destination nodes (col)
    deg = jnp.zeros((num_nodes,), dtype=x.dtype).at[col].add(1.0)
    deg_inv_sqrt = jnp.where(deg > 0, 1.0 / jnp.sqrt(deg), 0.0)
    norm = deg_inv_sqrt[row] * deg_inv_sqrt[col]  # edge_weight = ones
    out = jnp.zeros_like(x).at[col].add(x[row] * norm[:, None])
    return out


def reference(user_x, book_x, rates_edge_index, likes_edge_index, user_W, user_b, book_W, book_b):
    # user/book projections
    cur_user = user_x @ user_W + user_b
    cur_book = book_x @ book_W + book_b
    user_embeds = [cur_user]
    book_embeds = [cur_book]
    num_users = cur_user.shape[0]
    num_total = num_users + cur_book.shape[0]
    all_edges = jnp.concatenate([rates_edge_index, likes_edge_index], axis=1)
    # faithful to original: user_to_book kept raw, book_to_user offsets book ids
    row = jnp.concatenate([all_edges[0], all_edges[1] + num_users])
    col = jnp.concatenate([all_edges[1], all_edges[0]])
    for _ in range(NUM_LAYERS):
        combined = jnp.concatenate([cur_user, cur_book], axis=0)
        updated = _lightgcn_conv(combined, row, col, num_total)
        cur_user = updated[:num_users]
        cur_book = updated[num_users:]
        user_embeds.append(cur_user)
        book_embeds.append(cur_book)
    final_user = jnp.stack(user_embeds).mean(axis=0)
    final_book = jnp.stack(book_embeds).mean(axis=0)
    return (final_user, final_book)

if __name__ == "__main__":
    import jax
    _d = setup_inputs()
    print(jax.jit(kernel)(*tuple(_d.values())))

</pallas_src>

<mosaic_0001>
#map = affine_map<(d0, d1) -> (0, 0)>
#map1 = affine_map<(d0, d1) -> (0, 0, 0, 0)>
#map2 = affine_map<(d0, d1) -> (0, 0, 0)>
module attributes {stable_mosaic.version = 14 : i64} {
  func.func @_mp_body(%arg0: i32, %arg1: i32, %arg2: memref<10240x64xf32, #tpu.memory_space<hbm>>, %arg3: memref<10240x64xf32, #tpu.memory_space<hbm>>, %arg4: memref<5120x64xf32, #tpu.memory_space<hbm>>, %arg5: memref<2x16x157x128xi32, #tpu.memory_space<hbm>>, %arg6: memref<16x157x128xi32, #tpu.memory_space<hbm>>, %arg7: memref<10240x64xf32, #tpu.memory_space<hbm>>, %arg8: memref<10240x64xf32, #tpu.memory_space<hbm>>, %arg9: memref<157x128xi32, #tpu.memory_space<vmem>>, %arg10: memref<157x128xi32, #tpu.memory_space<vmem>>, %arg11: memref<128x64xf32, #tpu.memory_space<vmem>>, %arg12: memref<320x64xf32, #tpu.memory_space<vmem>>, %arg13: memref<320x64xf32, #tpu.memory_space<vmem>>, %arg14: memref<320x64xf32, #tpu.memory_space<vmem>>, %arg15: memref<5120x64xf32, #tpu.memory_space<vmem_shared>>) attributes {dimension_semantics = [#tpu.dimension_semantics<core_parallel>, #tpu.dimension_semantics<subcore_parallel>], iteration_bounds = array<i64: 2, 16>, scalar_prefetch = 0 : i64, scratch_operands = 7 : i64, tpu.core_type = #tpu.core_type<sc_vector_subcore>, window_params = [{transform_indices = #map}, {transform_indices = #map}, {transform_indices = #map}, {transform_indices = #map1}, {transform_indices = #map2}, {transform_indices = #map}, {transform_indices = #map}]} {
    %mul3A = arith.constant 320 : i32
    %mul3A_0 = arith.muli %arg1, %mul3A : i32
    %mul3A_1 = arith.constant 5120 : i32
    %mul3A_2 = arith.muli %arg0, %mul3A_1 : i32
    "tpu.region"() ({
      %run_scoped3A = tpu.sem_alloc : memref<!tpu.dma_semaphore, #tpu.memory_space<semaphore_mem>>
      %dma_start3A = arith.constant 0 : i32
      %dma_start3A_46 = arith.constant 0 : i32
      %dma_start3A_47 = tpu.memref_slice %arg5[%arg0, %arg1, %dma_start3A, %dma_start3A_46] : memref<2x16x157x128xi32, #tpu.memory_space<hbm>> -> memref<1x1x157x128xi32, #tpu.memory_space<hbm>>
      %dma_start3A_48 = tpu.memref_squeeze %dma_start3A_47 : memref<1x1x157x128xi32, #tpu.memory_space<hbm>> -> memref<157x128xi32, #tpu.memory_space<hbm>>
      %dma_start3A_49 = arith.constant 0 : i32
      %dma_start3A_50 = arith.constant 0 : i32
      %dma_start3A_51 = tpu.memref_slice %arg5[%arg0, %arg1, %dma_start3A_49, %dma_start3A_50] : memref<2x16x157x128xi32, #tpu.memory_space<hbm>> -> memref<1x1x157x128xi32, #tpu.memory_space<hbm>>
      %dma_start3A_52 = tpu.memref_squeeze %dma_start3A_51 : memref<1x1x157x128xi32, #tpu.memory_space<hbm>> -> memref<157x128xi32, #tpu.memory_space<hbm>>
      tpu.enqueue_dma source(%dma_start3A_52 : memref<157x128xi32, #tpu.memory_space<hbm>>) target(%arg9 : memref<157x128xi32, #tpu.memory_space<vmem>>) target_semaphore(%run_scoped3A : memref<!tpu.dma_semaphore, #tpu.memory_space<semaphore_mem>>)
      %dma_wait3A = arith.constant 0 : i32
      %dma_wait3A_53 = arith.constant 0 : i32
      %dma_wait3A_54 = tpu.memref_slice %arg5[%arg0, %arg1, %dma_wait3A, %dma_wait3A_53] : memref<2x16x157x128xi32, #tpu.memory_space<hbm>> -> memref<1x1x157x128xi32, #tpu.memory_space<hbm>>
      %dma_wait3A_55 = tpu.memref_squeeze %dma_wait3A_54 : memref<1x1x157x128xi32, #tpu.memory_space<hbm>> -> memref<157x128xi32, #tpu.memory_space<hbm>>
      %dma_wait3A_56 = arith.constant 0 : i32
      %dma_wait3A_57 = arith.constant 0 : i32
      %dma_wait3A_58 = tpu.memref_slice %arg5[%arg0, %arg1, %dma_wait3A_56, %dma_wait3A_57] : memref<2x16x157x128xi32, #tpu.memory_space<hbm>> -> memref<1x1x157x128xi32, #tpu.memory_space<hbm>>
      %dma_wait3A_59 = tpu.memref_squeeze %dma_wait3A_58 : memref<1x1x157x128xi32, #tpu.memory_space<hbm>> -> memref<157x128xi32, #tpu.memory_space<hbm>>
      tpu.wait_dma2 semaphore(%run_scoped3A : memref<!tpu.dma_semaphore, #tpu.memory_space<semaphore_mem>>) src(%dma_wait3A_59 : memref<157x128xi32, #tpu.memory_space<hbm>>) dst(%arg9 : memref<157x128xi32, #tpu.memory_space<vmem>>)
      tpu.yield
    }) : () -> ()
    "tpu.region"() ({
      %run_scoped3A = tpu.sem_alloc : memref<!tpu.dma_semaphore, #tpu.memory_space<semaphore_mem>>
      %dma_start3A = arith.constant 0 : i32
      %dma_start3A_46 = arith.constant 0 : i32
      %dma_start3A_47 = tpu.memref_slice %arg6[%arg1, %dma_start3A, %dma_start3A_46] : memref<16x157x128xi32, #tpu.memory_space<hbm>> -> memref<1x157x128xi32, #tpu.memory_space<hbm>>
      %dma_start3A_48 = tpu.memref_squeeze %dma_start3A_47 : memref<1x157x128xi32, #tpu.memory_space<hbm>> -> memref<157x128xi32, #tpu.memory_space<hbm>>
      %dma_start3A_49 = arith.constant 0 : i32
      %dma_start3A_50 = arith.constant 0 : i32
      %dma_start3A_51 = tpu.memref_slice %arg6[%arg1, %dma_start3A_49, %dma_start3A_50] : memref<16x157x128xi32, #tpu.memory_space<hbm>> -> memref<1x157x128xi32, #tpu.memory_space<hbm>>
      %dma_start3A_52 = tpu.memref_squeeze %dma_start3A_51 : memref<1x157x128xi32, #tpu.memory_space<hbm>> -> memref<157x128xi32, #tpu.memory_space<hbm>>
      tpu.enqueue_dma source(%dma_start3A_52 : memref<157x128xi32, #tpu.memory_space<hbm>>) target(%arg10 : memref<157x128xi32, #tpu.memory_space<vmem>>) target_semaphore(%run_scoped3A : memref<!tpu.dma_semaphore, #tpu.memory_space<semaphore_mem>>)
      %dma_wait3A = arith.constant 0 : i32
      %dma_wait3A_53 = arith.constant 0 : i32
      %dma_wait3A_54 = tpu.memref_slice %arg6[%arg1, %dma_wait3A, %dma_wait3A_53] : memref<16x157x128xi32, #tpu.memory_space<hbm>> -> memref<1x157x128xi32, #tpu.memory_space<hbm>>
      %dma_wait3A_55 = tpu.memref_squeeze %dma_wait3A_54 : memref<1x157x128xi32, #tpu.memory_space<hbm>> -> memref<157x128xi32, #tpu.memory_space<hbm>>
      %dma_wait3A_56 = arith.constant 0 : i32
      %dma_wait3A_57 = arith.constant 0 : i32
      %dma_wait3A_58 = tpu.memref_slice %arg6[%arg1, %dma_wait3A_56, %dma_wait3A_57] : memref<16x157x128xi32, #tpu.memory_space<hbm>> -> memref<1x157x128xi32, #tpu.memory_space<hbm>>
      %dma_wait3A_59 = tpu.memref_squeeze %dma_wait3A_58 : memref<1x157x128xi32, #tpu.memory_space<hbm>> -> memref<157x128xi32, #tpu.memory_space<hbm>>
      tpu.wait_dma2 semaphore(%run_scoped3A : memref<!tpu.dma_semaphore, #tpu.memory_space<semaphore_mem>>) src(%dma_wait3A_59 : memref<157x128xi32, #tpu.memory_space<hbm>>) dst(%arg10 : memref<157x128xi32, #tpu.memory_space<vmem>>)
      tpu.yield
    }) : () -> ()
    %add3A = arith.addi %mul3A_2, %mul3A_0 : i32
    "tpu.region"() ({
      %run_scoped3A = tpu.sem_alloc : memref<!tpu.dma_semaphore, #tpu.memory_space<semaphore_mem>>
      %dma_start3A = arith.constant 0 : i32
      %dma_start3A_46 = tpu.memref_slice %arg3[%add3A, %dma_start3A] : memref<10240x64xf32, #tpu.memory_space<hbm>> -> memref<320x64xf32, #tpu.memory_space<hbm>>
      %dma_start3A_47 = arith.constant 0 : i32
      %dma_start3A_48 = tpu.memref_slice %arg3[%add3A, %dma_start3A_47] : memref<10240x64xf32, #tpu.memory_space<hbm>> -> memref<320x64xf32, #tpu.memory_space<hbm>>
      tpu.enqueue_dma source(%dma_start3A_48 : memref<320x64xf32, #tpu.memory_space<hbm>>) target(%arg14 : memref<320x64xf32, #tpu.memory_space<vmem>>) target_semaphore(%run_scoped3A : memref<!tpu.dma_semaphore, #tpu.memory_space<semaphore_mem>>)
      %dma_wait3A = arith.constant 0 : i32
      %dma_wait3A_49 = tpu.memref_slice %arg3[%add3A, %dma_wait3A] : memref<10240x64xf32, #tpu.memory_space<hbm>> -> memref<320x64xf32, #tpu.memory_space<hbm>>
      %dma_wait3A_50 = arith.constant 0 : i32
      %dma_wait3A_51 = tpu.memref_slice %arg3[%add3A, %dma_wait3A_50] : memref<10240x64xf32, #tpu.memory_space<hbm>> -> memref<320x64xf32, #tpu.memory_space<hbm>>
      tpu.wait_dma2 semaphore(%run_scoped3A : memref<!tpu.dma_semaphore, #tpu.memory_space<semaphore_mem>>) src(%dma_wait3A_51 : memref<320x64xf32, #tpu.memory_space<hbm>>) dst(%arg14 : memref<320x64xf32, #tpu.memory_space<vmem>>)
      tpu.yield
    }) : () -> ()
    "tpu.region"() ({
      %run_scoped3A = tpu.sem_alloc : memref<!tpu.dma_semaphore, #tpu.memory_space<semaphore_mem>>
      %dma_start3A = arith.constant 0 : i32
      %dma_start3A_46 = tpu.memref_slice %arg4[%mul3A_0, %dma_start3A] : memref<5120x64xf32, #tpu.memory_space<hbm>> -> memref<320x64xf32, #tpu.memory_space<hbm>>
      %dma_start3A_47 = arith.constant 0 : i32
      %dma_start3A_48 = tpu.memref_slice %arg4[%mul3A_0, %dma_start3A_47] : memref<5120x64xf32, #tpu.memory_space<hbm>> -> memref<320x64xf32, #tpu.memory_space<hbm>>
      tpu.enqueue_dma source(%dma_start3A_48 : memref<320x64xf32, #tpu.memory_space<hbm>>) target(%arg13 : memref<320x64xf32, #tpu.memory_space<vmem>>) target_semaphore(%run_scoped3A : memref<!tpu.dma_semaphore, #tpu.memory_space<semaphore_mem>>)
      %dma_wait3A = arith.constant 0 : i32
      %dma_wait3A_49 = tpu.memref_slice %arg4[%mul3A_0, %dma_wait3A] : memref<5120x64xf32, #tpu.memory_space<hbm>> -> memref<320x64xf32, #tpu.memory_space<hbm>>
      %dma_wait3A_50 = arith.constant 0 : i32
      %dma_wait3A_51 = tpu.memref_slice %arg4[%mul3A_0, %dma_wait3A_50] : memref<5120x64xf32, #tpu.memory_space<hbm>> -> memref<320x64xf32, #tpu.memory_space<hbm>>
      tpu.wait_dma2 semaphore(%run_scoped3A : memref<!tpu.dma_semaphore, #tpu.memory_space<semaphore_mem>>) src(%dma_wait3A_51 : memref<320x64xf32, #tpu.memory_space<hbm>>) dst(%arg13 : memref<320x64xf32, #tpu.memory_space<vmem>>)
      tpu.yield
    }) : () -> ()
    %broadcast_in_dim3A = arith.constant 0.000000e+00 : f32
    %broadcast_in_dim3A_3 = vector.broadcast %broadcast_in_dim3A : f32 to vector<16xf32>
    %scan3A = arith.constant 0 : i32
    %scan3A_4 = arith.constant 0 : i32
    %scan3A_5 = arith.constant 320 : i32
    %scan3A_6 = arith.addi %scan3A_4, %scan3A_5 : i32
    %scan3A_7 = arith.constant 1 : i32
    scf.for %scan3A_46 = %scan3A_4 to %scan3A_6 step %scan3A_7  : i32 {
      %swap3A = arith.index_cast %scan3A_46 : i32 to index
      %swap3A_47 = arith.constant 0 : index
      %swap3A_48 = tpu.vector_load %arg12[%swap3A, %swap3A_47] {strides = array<i32>} : memref<320x64xf32, #tpu.memory_space<vmem>>, vector<16xf32>,
      tpu.vector_store %arg12[%swap3A, %swap3A_47], %broadcast_in_dim3A_3 {strides = array<i32>} : memref<320x64xf32, #tpu.memory_space<vmem>>, vector<16xf32>,
      %swap3A_49 = arith.index_cast %scan3A_46 : i32 to index
      %swap3A_50 = arith.constant 16 : index
      %swap3A_51 = tpu.vector_load %arg12[%swap3A_49, %swap3A_50] {strides = array<i32>} : memref<320x64xf32, #tpu.memory_space<vmem>>, vector<16xf32>,
      tpu.vector_store %arg12[%swap3A_49, %swap3A_50], %broadcast_in_dim3A_3 {strides = array<i32>} : memref<320x64xf32, #tpu.memory_space<vmem>>, vector<16xf32>,
      %swap3A_52 = arith.index_cast %scan3A_46 : i32 to index
      %swap3A_53 = arith.constant 32 : index
      %swap3A_54 = tpu.vector_load %arg12[%swap3A_52, %swap3A_53] {strides = array<i32>} : memref<320x64xf32, #tpu.memory_space<vmem>>, vector<16xf32>,
      tpu.vector_store %arg12[%swap3A_52, %swap3A_53], %broadcast_in_dim3A_3 {strides = array<i32>} : memref<320x64xf32, #tpu.memory_space<vmem>>, vector<16xf32>,
      %swap3A_55 = arith.index_cast %scan3A_46 : i32 to index
      %swap3A_56 = arith.constant 48 : index
      %swap3A_57 = tpu.vector_load %arg12[%swap3A_55, %swap3A_56] {strides = array<i32>} : memref<320x64xf32, #tpu.memory_space<vmem>>, vector<16xf32>,
      tpu.vector_store %arg12[%swap3A_55, %swap3A_56], %broadcast_in_dim3A_3 {strides = array<i32>} : memref<320x64xf32, #tpu.memory_space<vmem>>, vector<16xf32>,
    }
    %scan3A_8 = arith.constant 320 : i32
    "tpu.region"() ({
      %run_scoped3A = tpu.sem_alloc : memref<!tpu.dma_semaphore, #tpu.memory_space<semaphore_mem>>
      %dma_start3A = arith.constant 0 : i32
      %dma_start3A_46 = tpu.memref_slice %arg15[%mul3A_0, %dma_start3A] : memref<5120x64xf32, #tpu.memory_space<vmem_shared>> -> memref<320x64xf32, #tpu.memory_space<vmem_shared>>
      %dma_start3A_47 = arith.constant 0 : i32
      %dma_start3A_48 = tpu.memref_slice %arg15[%mul3A_0, %dma_start3A_47] : memref<5120x64xf32, #tpu.memory_space<vmem_shared>> -> memref<320x64xf32, #tpu.memory_space<vmem_shared>>
      tpu.enqueue_dma source(%arg12 : memref<320x64xf32, #tpu.memory_space<vmem>>) target(%dma_start3A_48 : memref<320x64xf32, #tpu.memory_space<vmem_shared>>) target_semaphore(%run_scoped3A : memref<!tpu.dma_semaphore, #tpu.memory_space<semaphore_mem>>)
      %dma_wait3A = arith.constant 0 : i32
      %dma_wait3A_49 = tpu.memref_slice %arg15[%mul3A_0, %dma_wait3A] : memref<5120x64xf32, #tpu.memory_space<vmem_shared>> -> memref<320x64xf32, #tpu.memory_space<vmem_shared>>
      %dma_wait3A_50 = arith.constant 0 : i32
      %dma_wait3A_51 = tpu.memref_slice %arg15[%mul3A_0, %dma_wait3A_50] : memref<5120x64xf32, #tpu.memory_space<vmem_shared>> -> memref<320x64xf32, #tpu.memory_space<vmem_shared>>
      tpu.wait_dma2 semaphore(%run_scoped3A : memref<!tpu.dma_semaphore, #tpu.memory_space<semaphore_mem>>) src(%arg12 : memref<320x64xf32, #tpu.memory_space<vmem>>) dst(%dma_wait3A_51 : memref<320x64xf32, #tpu.memory_space<vmem_shared>>)
      tpu.yield
    }) : () -> ()
    %barrier3A = arith.constant 0 : index
    tpu.barrier barrier_id(%barrier3A)
    %scan3A_9 = arith.constant 0 : i32
    %scan3A_10 = arith.constant 0 : i32
    %scan3A_11 = arith.constant 157 : i32
    %scan3A_12 = arith.addi %scan3A_10, %scan3A_11 : i32
    %scan3A_13 = arith.constant 1 : i32
    scf.for %scan3A_46 = %scan3A_10 to %scan3A_12 step %scan3A_13  : i32 {
      "tpu.region"() ({
        %run_scoped3A = tpu.sem_alloc : memref<!tpu.dma_semaphore, #tpu.memory_space<semaphore_mem>>
        %dma_start3A = arith.constant 0 : i32
        %dma_start3A_47 = tpu.memref_slice %arg9[%scan3A_46, %dma_start3A] : memref<157x128xi32, #tpu.memory_space<vmem>> -> memref<1x128xi32, #tpu.memory_space<vmem>>
        %dma_start3A_48 = tpu.memref_squeeze %dma_start3A_47 : memref<1x128xi32, #tpu.memory_space<vmem>> -> memref<128xi32, #tpu.memory_space<vmem>>
        %dma_start3A_49 = arith.constant 0 : i32
        %dma_start3A_50 = arith.constant 0 : i32
        %dma_start3A_51 = tpu.memref_slice %arg2[%dma_start3A_49, %dma_start3A_50] : memref<10240x64xf32, #tpu.memory_space<hbm>> -> memref<10240x64xf32, #tpu.memory_space<hbm>>
        tpu.enqueue_indirect_dma source(%dma_start3A_51 : memref<10240x64xf32, #tpu.memory_space<hbm>>) target(%arg11 : memref<128x64xf32, #tpu.memory_space<vmem>>) offsets(%dma_start3A_48 : memref<128xi32, #tpu.memory_space<vmem>>) semaphore(%run_scoped3A : memref<!tpu.dma_semaphore, #tpu.memory_space<semaphore_mem>>)
        %dma_wait3A = arith.constant 0 : i32
        %dma_wait3A_52 = tpu.memref_slice %arg9[%scan3A_46, %dma_wait3A] : memref<157x128xi32, #tpu.memory_space<vmem>> -> memref<1x128xi32, #tpu.memory_space<vmem>>
        %dma_wait3A_53 = tpu.memref_squeeze %dma_wait3A_52 : memref<1x128xi32, #tpu.memory_space<vmem>> -> memref<128xi32, #tpu.memory_space<vmem>>
        %dma_wait3A_54 = arith.constant 0 : i32
        %dma_wait3A_55 = arith.constant 0 : i32
        %dma_wait3A_56 = tpu.memref_slice %arg2[%dma_wait3A_54, %dma_wait3A_55] : memref<10240x64xf32, #tpu.memory_space<hbm>> -> memref<10240x64xf32, #tpu.memory_space<hbm>>
        tpu.wait_indirect_dma semaphore(%run_scoped3A : memref<!tpu.dma_semaphore, #tpu.memory_space<semaphore_mem>>) src(%dma_wait3A_56 : memref<10240x64xf32, #tpu.memory_space<hbm>>) dst(%arg11 : memref<128x64xf32, #tpu.memory_space<vmem>>)
        tpu.yield
      }) : () -> ()
      "tpu.region"() ({
        %run_scoped3A = tpu.sem_alloc : memref<!tpu.dma_semaphore, #tpu.memory_space<semaphore_mem>>
        %dma_start3A = arith.constant 0 : i32
        %dma_start3A_47 = tpu.memref_slice %arg10[%scan3A_46, %dma_start3A] : memref<157x128xi32, #tpu.memory_space<vmem>> -> memref<1x128xi32, #tpu.memory_space<vmem>>
        %dma_start3A_48 = tpu.memref_squeeze %dma_start3A_47 : memref<1x128xi32, #tpu.memory_space<vmem>> -> memref<128xi32, #tpu.memory_space<vmem>>
        %dma_start3A_49 = arith.constant 0 : i32
        %dma_start3A_50 = arith.constant 0 : i32
        %dma_start3A_51 = tpu.memref_slice %arg15[%dma_start3A_49, %dma_start3A_50] : memref<5120x64xf32, #tpu.memory_space<vmem_shared>> -> memref<5120x64xf32, #tpu.memory_space<vmem_shared>>
        tpu.enqueue_indirect_dma source(%arg11 : memref<128x64xf32, #tpu.memory_space<vmem>>) target(%dma_start3A_51 : memref<5120x64xf32, #tpu.memory_space<vmem_shared>>) offsets(%dma_start3A_48 : memref<128xi32, #tpu.memory_space<vmem>>) semaphore(%run_scoped3A : memref<!tpu.dma_semaphore, #tpu.memory_space<semaphore_mem>>) {add = true}
        %dma_wait3A = arith.constant 0 : i32
        %dma_wait3A_52 = tpu.memref_slice %arg10[%scan3A_46, %dma_wait3A] : memref<157x128xi32, #tpu.memory_space<vmem>> -> memref<1x128xi32, #tpu.memory_space<vmem>>
        %dma_wait3A_53 = tpu.memref_squeeze %dma_wait3A_52 : memref<1x128xi32, #tpu.memory_space<vmem>> -> memref<128xi32, #tpu.memory_space<vmem>>
        %dma_wait3A_54 = arith.constant 0 : i32
        %dma_wait3A_55 = arith.constant 0 : i32
        %dma_wait3A_56 = tpu.memref_slice %arg15[%dma_wait3A_54, %dma_wait3A_55] : memref<5120x64xf32, #tpu.memory_space<vmem_shared>> -> memref<5120x64xf32, #tpu.memory_space<vmem_shared>>
        tpu.wait_indirect_dma semaphore(%run_scoped3A : memref<!tpu.dma_semaphore, #tpu.memory_space<semaphore_mem>>) src(%arg11 : memref<128x64xf32, #tpu.memory_space<vmem>>) dst(%dma_wait3A_56 : memref<5120x64xf32, #tpu.memory_space<vmem_shared>>)
        tpu.yield
      }) : () -> ()
    }
    %scan3A_14 = arith.constant 157 : i32
    %barrier3A_15 = arith.constant 0 : index
    tpu.barrier barrier_id(%barrier3A_15)
    "tpu.region"() ({
      %run_scoped3A = tpu.sem_alloc : memref<!tpu.dma_semaphore, #tpu.memory_space<semaphore_mem>>
      %dma_start3A = arith.constant 0 : i32
      %dma_start3A_46 = tpu.memref_slice %arg15[%mul3A_0, %dma_start3A] : memref<5120x64xf32, #tpu.memory_space<vmem_shared>> -> memref<320x64xf32, #tpu.memory_space<vmem_shared>>
      %dma_start3A_47 = arith.constant 0 : i32
      %dma_start3A_48 = tpu.memref_slice %arg15[%mul3A_0, %dma_start3A_47] : memref<5120x64xf32, #tpu.memory_space<vmem_shared>> -> memref<320x64xf32, #tpu.memory_space<vmem_shared>>
      tpu.enqueue_dma source(%dma_start3A_48 : memref<320x64xf32, #tpu.memory_space<vmem_shared>>) target(%arg12 : memref<320x64xf32, #tpu.memory_space<vmem>>) target_semaphore(%run_scoped3A : memref<!tpu.dma_semaphore, #tpu.memory_space<semaphore_mem>>)
      %dma_wait3A = arith.constant 0 : i32
      %dma_wait3A_49 = tpu.memref_slice %arg15[%mul3A_0, %dma_wait3A] : memref<5120x64xf32, #tpu.memory_space<vmem_shared>> -> memref<320x64xf32, #tpu.memory_space<vmem_shared>>
      %dma_wait3A_50 = arith.constant 0 : i32
      %dma_wait3A_51 = tpu.memref_slice %arg15[%mul3A_0, %dma_wait3A_50] : memref<5120x64xf32, #tpu.memory_space<vmem_shared>> -> memref<320x64xf32, #tpu.memory_space<vmem_shared>>
      tpu.wait_dma2 semaphore(%run_scoped3A : memref<!tpu.dma_semaphore, #tpu.memory_space<semaphore_mem>>) src(%dma_wait3A_51 : memref<320x64xf32, #tpu.memory_space<vmem_shared>>) dst(%arg12 : memref<320x64xf32, #tpu.memory_space<vmem>>)
      tpu.yield
    }) : () -> ()
    %scan3A_16 = arith.constant 0 : i32
    %scan3A_17 = arith.constant 0 : i32
    %scan3A_18 = arith.constant 320 : i32
    %scan3A_19 = arith.addi %scan3A_17, %scan3A_18 : i32
    %scan3A_20 = arith.constant 1 : i32
    scf.for %scan3A_46 = %scan3A_17 to %scan3A_19 step %scan3A_20  : i32 {
      %get3A = arith.index_cast %scan3A_46 : i32 to index
      %get3A_47 = arith.constant 0 : index
      %get3A_48 = tpu.vector_load %arg12[%get3A, %get3A_47] {strides = array<i32>} : memref<320x64xf32, #tpu.memory_space<vmem>>, vector<16xf32>,
      %get3A_49 = arith.index_cast %scan3A_46 : i32 to index
      %get3A_50 = arith.constant 0 : index
      %get3A_51 = tpu.vector_load %arg13[%get3A_49, %get3A_50] {strides = array<i32>} : memref<320x64xf32, #tpu.memory_space<vmem>>, vector<16xf32>,
      %mul3A_52 = arith.mulf %get3A_48, %get3A_51 : vector<16xf32>
      %get3A_53 = arith.index_cast %scan3A_46 : i32 to index
      %get3A_54 = arith.constant 0 : index
      %get3A_55 = tpu.vector_load %arg14[%get3A_53, %get3A_54] {strides = array<i32>} : memref<320x64xf32, #tpu.memory_space<vmem>>, vector<16xf32>,
      %add3A_56 = arith.addf %get3A_55, %mul3A_52 : vector<16xf32>
      %swap3A = arith.index_cast %scan3A_46 : i32 to index
      %swap3A_57 = arith.constant 0 : index
      %swap3A_58 = tpu.vector_load %arg14[%swap3A, %swap3A_57] {strides = array<i32>} : memref<320x64xf32, #tpu.memory_space<vmem>>, vector<16xf32>,
      tpu.vector_store %arg14[%swap3A, %swap3A_57], %add3A_56 {strides = array<i32>} : memref<320x64xf32, #tpu.memory_space<vmem>>, vector<16xf32>,
      %mul3A_59 = arith.mulf %mul3A_52, %get3A_51 : vector<16xf32>
      %swap3A_60 = arith.index_cast %scan3A_46 : i32 to index
      %swap3A_61 = arith.constant 0 : index
      %swap3A_62 = tpu.vector_load %arg12[%swap3A_60, %swap3A_61] {strides = array<i32>} : memref<320x64xf32, #tpu.memory_space<vmem>>, vector<16xf32>,
      tpu.vector_store %arg12[%swap3A_60, %swap3A_61], %mul3A_59 {strides = array<i32>} : memref<320x64xf32, #tpu.memory_space<vmem>>, vector<16xf32>,
      %get3A_63 = arith.index_cast %scan3A_46 : i32 to index
      %get3A_64 = arith.constant 16 : index
      %get3A_65 = tpu.vector_load %arg12[%get3A_63, %get3A_64] {strides = array<i32>} : memref<320x64xf32, #tpu.memory_space<vmem>>, vector<16xf32>,
      %get3A_66 = arith.index_cast %scan3A_46 : i32 to index
      %get3A_67 = arith.constant 16 : index
      %get3A_68 = tpu.vector_load %arg13[%get3A_66, %get3A_67] {strides = array<i32>} : memref<320x64xf32, #tpu.memory_space<vmem>>, vector<16xf32>,
      %mul3A_69 = arith.mulf %get3A_65, %get3A_68 : vector<16xf32>
      %get3A_70 = arith.index_cast %scan3A_46 : i32 to index
      %get3A_71 = arith.constant 16 : index
      %get3A_72 = tpu.vector_load %arg14[%get3A_70, %get3A_71] {strides = array<i32>} : memref<320x64xf32, #tpu.memory_space<vmem>>, vector<16xf32>,
      %add3A_73 = arith.addf %get3A_72, %mul3A_69 : vector<16xf32>
      %swap3A_74 = arith.index_cast %scan3A_46 : i32 to index
      %swap3A_75 = arith.constant 16 : index
      %swap3A_76 = tpu.vector_load %arg14[%swap3A_74, %swap3A_75] {strides = array<i32>} : memref<320x64xf32, #tpu.memory_space<vmem>>, vector<16xf32>,
      tpu.vector_store %arg14[%swap3A_74, %swap3A_75], %add3A_73 {strides = array<i32>} : memref<320x64xf32, #tpu.memory_space<vmem>>, vector<16xf32>,
      %mul3A_77 = arith.mulf %mul3A_69, %get3A_68 : vector<16xf32>
      %swap3A_78 = arith.index_cast %scan3A_46 : i32 to index
      %swap3A_79 = arith.constant 16 : index
      %swap3A_80 = tpu.vector_load %arg12[%swap3A_78, %swap3A_79] {strides = array<i32>} : memref<320x64xf32, #tpu.memory_space<vmem>>, vector<16xf32>,
      tpu.vector_store %arg12[%swap3A_78, %swap3A_79], %mul3A_77 {strides = array<i32>} : memref<320x64xf32, #tpu.memory_space<vmem>>, vector<16xf32>,
      %get3A_81 = arith.index_cast %scan3A_46 : i32 to index
      %get3A_82 = arith.constant 32 : index
      %get3A_83 = tpu.vector_load %arg12[%get3A_81, %get3A_82] {strides = array<i32>} : memref<320x64xf32, #tpu.memory_space<vmem>>, vector<16xf32>,
      %get3A_84 = arith.index_cast %scan3A_46 : i32 to index
      %get3A_85 = arith.constant 32 : index
      %get3A_86 = tpu.vector_load %arg13[%get3A_84, %get3A_85] {strides = array<i32>} : memref<320x64xf32, #tpu.memory_space<vmem>>, vector<16xf32>,
      %mul3A_87 = arith.mulf %get3A_83, %get3A_86 : vector<16xf32>
      %get3A_88 = arith.index_cast %scan3A_46 : i32 to index
      %get3A_89 = arith.constant 32 : index
      %get3A_90 = tpu.vector_load %arg14[%get3A_88, %get3A_89] {strides = array<i32>} : memref<320x64xf32, #tpu.memory_space<vmem>>, vector<16xf32>,
      %add3A_91 = arith.addf %get3A_90, %mul3A_87 : vector<16xf32>
      %swap3A_92 = arith.index_cast %scan3A_46 : i32 to index
      %swap3A_93 = arith.constant 32 : index
      %swap3A_94 = tpu.vector_load %arg14[%swap3A_92, %swap3A_93] {strides = array<i32>} : memref<320x64xf32, #tpu.memory_space<vmem>>, vector<16xf32>,
      tpu.vector_store %arg14[%swap3A_92, %swap3A_93], %add3A_91 {strides = array<i32>} : memref<320x64xf32, #tpu.memory_space<vmem>>, vector<16xf32>,
      %mul3A_95 = arith.mulf %mul3A_87, %get3A_86 : vector<16xf32>
      %swap3A_96 = arith.index_cast %scan3A_46 : i32 to index
      %swap3A_97 = arith.constant 32 : index
      %swap3A_98 = tpu.vector_load %arg12[%swap3A_96, %swap3A_97] {strides = array<i32>} : memref<320x64xf32, #tpu.memory_space<vmem>>, vector<16xf32>,
      tpu.vector_store %arg12[%swap3A_96, %swap3A_97], %mul3A_95 {strides = array<i32>} : memref<320x64xf32, #tpu.memory_space<vmem>>, vector<16xf32>,
      %get3A_99 = arith.index_cast %scan3A_46 : i32 to index
      %get3A_100 = arith.constant 48 : index
      %get3A_101 = tpu.vector_load %arg12[%get3A_99, %get3A_100] {strides = array<i32>} : memref<320x64xf32, #tpu.memory_space<vmem>>, vector<16xf32>,
      %get3A_102 = arith.index_cast %scan3A_46 : i32 to index
      %get3A_103 = arith.constant 48 : index
      %get3A_104 = tpu.vector_load %arg13[%get3A_102, %get3A_103] {strides = array<i32>} : memref<320x64xf32, #tpu.memory_space<vmem>>, vector<16xf32>,
      %mul3A_105 = arith.mulf %get3A_101, %get3A_104 : vector<16xf32>
      %get3A_106 = arith.index_cast %scan3A_46 : i32 to index
      %get3A_107 = arith.constant 48 : index
      %get3A_108 = tpu.vector_load %arg14[%get3A_106, %get3A_107] {strides = array<i32>} : memref<320x64xf32, #tpu.memory_space<vmem>>, vector<16xf32>,
      %add3A_109 = arith.addf %get3A_108, %mul3A_105 : vector<16xf32>
      %swap3A_110 = arith.index_cast %scan3A_46 : i32 to index
      %swap3A_111 = arith.constant 48 : index
      %swap3A_112 = tpu.vector_load %arg14[%swap3A_110, %swap3A_111] {strides = array<i32>} : memref<320x64xf32, #tpu.memory_space<vmem>>, vector<16xf32>,
      tpu.vector_store %arg14[%swap3A_110, %swap3A_111], %add3A_109 {strides = array<i32>} : memref<320x64xf32, #tpu.memory_space<vmem>>, vector<16xf32>,
      %mul3A_113 = arith.mulf %mul3A_105, %get3A_104 : vector<16xf32>
      %swap3A_114 = arith.index_cast %scan3A_46 : i32 to index
      %swap3A_115 = arith.constant 48 : index
      %swap3A_116 = tpu.vector_load %arg12[%swap3A_114, %swap3A_115] {strides = array<i32>} : memref<320x64xf32, #tpu.memory_space<vmem>>, vector<16xf32>,
      tpu.vector_store %arg12[%swap3A_114, %swap3A_115], %mul3A_113 {strides = array<i32>} : memref<320x64xf32, #tpu.memory_space<vmem>>, vector<16xf32>,
    }
    %scan3A_21 = arith.constant 320 : i32
    %add3A_22 = arith.addi %mul3A_2, %mul3A_0 : i32
    "tpu.region"() ({
      %run_scoped3A = tpu.sem_alloc : memref<!tpu.dma_semaphore, #tpu.memory_space<semaphore_mem>>
      %dma_start3A = arith.constant 0 : i32
      %dma_start3A_46 = tpu.memref_slice %arg8[%add3A_22, %dma_start3A] : memref<10240x64xf32, #tpu.memory_space<hbm>> -> memref<320x64xf32, #tpu.memory_space<hbm>>
      %dma_start3A_47 = arith.constant 0 : i32
      %dma_start3A_48 = tpu.memref_slice %arg8[%add3A_22, %dma_start3A_47] : memref<10240x64xf32, #tpu.memory_space<hbm>> -> memref<320x64xf32, #tpu.memory_space<hbm>>
      tpu.enqueue_dma source(%arg12 : memref<320x64xf32, #tpu.memory_space<vmem>>) target(%dma_start3A_48 : memref<320x64xf32, #tpu.memory_space<hbm>>) target_semaphore(%run_scoped3A : memref<!tpu.dma_semaphore, #tpu.memory_space<semaphore_mem>>)
      %dma_wait3A = arith.constant 0 : i32
      %dma_wait3A_49 = tpu.memref_slice %arg8[%add3A_22, %dma_wait3A] : memref<10240x64xf32, #tpu.memory_space<hbm>> -> memref<320x64xf32, #tpu.memory_space<hbm>>
      %dma_wait3A_50 = arith.constant 0 : i32
      %dma_wait3A_51 = tpu.memref_slice %arg8[%add3A_22, %dma_wait3A_50] : memref<10240x64xf32, #tpu.memory_space<hbm>> -> memref<320x64xf32, #tpu.memory_space<hbm>>
      tpu.wait_dma2 semaphore(%run_scoped3A : memref<!tpu.dma_semaphore, #tpu.memory_space<semaphore_mem>>) src(%arg12 : memref<320x64xf32, #tpu.memory_space<vmem>>) dst(%dma_wait3A_51 : memref<320x64xf32, #tpu.memory_space<hbm>>)
      tpu.yield
    }) : () -> ()
    %broadcast_in_dim3A_23 = arith.constant 0.000000e+00 : f32
    %broadcast_in_dim3A_24 = vector.broadcast %broadcast_in_dim3A_23 : f32 to vector<16xf32>
    %scan3A_25 = arith.constant 0 : i32
    %scan3A_26 = arith.constant 0 : i32
    %scan3A_27 = arith.constant 320 : i32
    %scan3A_28 = arith.addi %scan3A_26, %scan3A_27 : i32
    %scan3A_29 = arith.constant 1 : i32
    scf.for %scan3A_46 = %scan3A_26 to %scan3A_28 step %scan3A_29  : i32 {
      %swap3A = arith.index_cast %scan3A_46 : i32 to index
      %swap3A_47 = arith.constant 0 : index
      %swap3A_48 = tpu.vector_load %arg12[%swap3A, %swap3A_47] {strides = array<i32>} : memref<320x64xf32, #tpu.memory_space<vmem>>, vector<16xf32>,
      tpu.vector_store %arg12[%swap3A, %swap3A_47], %broadcast_in_dim3A_24 {strides = array<i32>} : memref<320x64xf32, #tpu.memory_space<vmem>>, vector<16xf32>,
      %swap3A_49 = arith.index_cast %scan3A_46 : i32 to index
      %swap3A_50 = arith.constant 16 : index
      %swap3A_51 = tpu.vector_load %arg12[%swap3A_49, %swap3A_50] {strides = array<i32>} : memref<320x64xf32, #tpu.memory_space<vmem>>, vector<16xf32>,
      tpu.vector_store %arg12[%swap3A_49, %swap3A_50], %broadcast_in_dim3A_24 {strides = array<i32>} : memref<320x64xf32, #tpu.memory_space<vmem>>, vector<16xf32>,
      %swap3A_52 = arith.index_cast %scan3A_46 : i32 to index
      %swap3A_53 = arith.constant 32 : index
      %swap3A_54 = tpu.vector_load %arg12[%swap3A_52, %swap3A_53] {strides = array<i32>} : memref<320x64xf32, #tpu.memory_space<vmem>>, vector<16xf32>,
      tpu.vector_store %arg12[%swap3A_52, %swap3A_53], %broadcast_in_dim3A_24 {strides = array<i32>} : memref<320x64xf32, #tpu.memory_space<vmem>>, vector<16xf32>,
      %swap3A_55 = arith.index_cast %scan3A_46 : i32 to index
      %swap3A_56 = arith.constant 48 : index
      %swap3A_57 = tpu.vector_load %arg12[%swap3A_55, %swap3A_56] {strides = array<i32>} : memref<320x64xf32, #tpu.memory_space<vmem>>, vector<16xf32>,
      tpu.vector_store %arg12[%swap3A_55, %swap3A_56], %broadcast_in_dim3A_24 {strides = array<i32>} : memref<320x64xf32, #tpu.memory_space<vmem>>, vector<16xf32>,
    }
    %scan3A_30 = arith.constant 320 : i32
    "tpu.region"() ({
      %run_scoped3A = tpu.sem_alloc : memref<!tpu.dma_semaphore, #tpu.memory_space<semaphore_mem>>
      %dma_start3A = arith.constant 0 : i32
      %dma_start3A_46 = tpu.memref_slice %arg15[%mul3A_0, %dma_start3A] : memref<5120x64xf32, #tpu.memory_space<vmem_shared>> -> memref<320x64xf32, #tpu.memory_space<vmem_shared>>
      %dma_start3A_47 = arith.constant 0 : i32
      %dma_start3A_48 = tpu.memref_slice %arg15[%mul3A_0, %dma_start3A_47] : memref<5120x64xf32, #tpu.memory_space<vmem_shared>> -> memref<320x64xf32, #tpu.memory_space<vmem_shared>>
      tpu.enqueue_dma source(%arg12 : memref<320x64xf32, #tpu.memory_space<vmem>>) target(%dma_start3A_48 : memref<320x64xf32, #tpu.memory_space<vmem_shared>>) target_semaphore(%run_scoped3A : memref<!tpu.dma_semaphore, #tpu.memory_space<semaphore_mem>>)
      %dma_wait3A = arith.constant 0 : i32
      %dma_wait3A_49 = tpu.memref_slice %arg15[%mul3A_0, %dma_wait3A] : memref<5120x64xf32, #tpu.memory_space<vmem_shared>> -> memref<320x64xf32, #tpu.memory_space<vmem_shared>>
      %dma_wait3A_50 = arith.constant 0 : i32
      %dma_wait3A_51 = tpu.memref_slice %arg15[%mul3A_0, %dma_wait3A_50] : memref<5120x64xf32, #tpu.memory_space<vmem_shared>> -> memref<320x64xf32, #tpu.memory_space<vmem_shared>>
      tpu.wait_dma2 semaphore(%run_scoped3A : memref<!tpu.dma_semaphore, #tpu.memory_space<semaphore_mem>>) src(%arg12 : memref<320x64xf32, #tpu.memory_space<vmem>>) dst(%dma_wait3A_51 : memref<320x64xf32, #tpu.memory_space<vmem_shared>>)
      tpu.yield
    }) : () -> ()
    %barrier3A_31 = arith.constant 0 : index
    tpu.barrier barrier_id(%barrier3A_31)
    %scan3A_32 = arith.constant 0 : i32
    %scan3A_33 = arith.constant 0 : i32
    %scan3A_34 = arith.constant 157 : i32
    %scan3A_35 = arith.addi %scan3A_33, %scan3A_34 : i32
    %scan3A_36 = arith.constant 1 : i32
    scf.for %scan3A_46 = %scan3A_33 to %scan3A_35 step %scan3A_36  : i32 {
      "tpu.region"() ({
        %run_scoped3A = tpu.sem_alloc : memref<!tpu.dma_semaphore, #tpu.memory_space<semaphore_mem>>
        %dma_start3A = arith.constant 0 : i32
        %dma_start3A_47 = tpu.memref_slice %arg9[%scan3A_46, %dma_start3A] : memref<157x128xi32, #tpu.memory_space<vmem>> -> memref<1x128xi32, #tpu.memory_space<vmem>>
        %dma_start3A_48 = tpu.memref_squeeze %dma_start3A_47 : memref<1x128xi32, #tpu.memory_space<vmem>> -> memref<128xi32, #tpu.memory_space<vmem>>
        %dma_start3A_49 = arith.constant 0 : i32
        %dma_start3A_50 = arith.constant 0 : i32
        %dma_start3A_51 = tpu.memref_slice %arg8[%dma_start3A_49, %dma_start3A_50] : memref<10240x64xf32, #tpu.memory_space<hbm>> -> memref<10240x64xf32, #tpu.memory_space<hbm>>
        tpu.enqueue_indirect_dma source(%dma_start3A_51 : memref<10240x64xf32, #tpu.memory_space<hbm>>) target(%arg11 : memref<128x64xf32, #tpu.memory_space<vmem>>) offsets(%dma_start3A_48 : memref<128xi32, #tpu.memory_space<vmem>>) semaphore(%run_scoped3A : memref<!tpu.dma_semaphore, #tpu.memory_space<semaphore_mem>>)
        %dma_wait3A = arith.constant 0 : i32
        %dma_wait3A_52 = tpu.memref_slice %arg9[%scan3A_46, %dma_wait3A] : memref<157x128xi32, #tpu.memory_space<vmem>> -> memref<1x128xi32, #tpu.memory_space<vmem>>
        %dma_wait3A_53 = tpu.memref_squeeze %dma_wait3A_52 : memref<1x128xi32, #tpu.memory_space<vmem>> -> memref<128xi32, #tpu.memory_space<vmem>>
        %dma_wait3A_54 = arith.constant 0 : i32
        %dma_wait3A_55 = arith.constant 0 : i32
        %dma_wait3A_56 = tpu.memref_slice %arg8[%dma_wait3A_54, %dma_wait3A_55] : memref<10240x64xf32, #tpu.memory_space<hbm>> -> memref<10240x64xf32, #tpu.memory_space<hbm>>
        tpu.wait_indirect_dma semaphore(%run_scoped3A : memref<!tpu.dma_semaphore, #tpu.memory_space<semaphore_mem>>) src(%dma_wait3A_56 : memref<10240x64xf32, #tpu.memory_space<hbm>>) dst(%arg11 : memref<128x64xf32, #tpu.memory_space<vmem>>)
        tpu.yield
      }) : () -> ()
      "tpu.region"() ({
        %run_scoped3A = tpu.sem_alloc : memref<!tpu.dma_semaphore, #tpu.memory_space<semaphore_mem>>
        %dma_start3A = arith.constant 0 : i32
        %dma_start3A_47 = tpu.memref_slice %arg10[%scan3A_46, %dma_start3A] : memref<157x128xi32, #tpu.memory_space<vmem>> -> memref<1x128xi32, #tpu.memory_space<vmem>>
        %dma_start3A_48 = tpu.memref_squeeze %dma_start3A_47 : memref<1x128xi32, #tpu.memory_space<vmem>> -> memref<128xi32, #tpu.memory_space<vmem>>
        %dma_start3A_49 = arith.constant 0 : i32
        %dma_start3A_50 = arith.constant 0 : i32
        %dma_start3A_51 = tpu.memref_slice %arg15[%dma_start3A_49, %dma_start3A_50] : memref<5120x64xf32, #tpu.memory_space<vmem_shared>> -> memref<5120x64xf32, #tpu.memory_space<vmem_shared>>
        tpu.enqueue_indirect_dma source(%arg11 : memref<128x64xf32, #tpu.memory_space<vmem>>) target(%dma_start3A_51 : memref<5120x64xf32, #tpu.memory_space<vmem_shared>>) offsets(%dma_start3A_48 : memref<128xi32, #tpu.memory_space<vmem>>) semaphore(%run_scoped3A : memref<!tpu.dma_semaphore, #tpu.memory_space<semaphore_mem>>) {add = true}
        %dma_wait3A = arith.constant 0 : i32
        %dma_wait3A_52 = tpu.memref_slice %arg10[%scan3A_46, %dma_wait3A] : memref<157x128xi32, #tpu.memory_space<vmem>> -> memref<1x128xi32, #tpu.memory_space<vmem>>
        %dma_wait3A_53 = tpu.memref_squeeze %dma_wait3A_52 : memref<1x128xi32, #tpu.memory_space<vmem>> -> memref<128xi32, #tpu.memory_space<vmem>>
        %dma_wait3A_54 = arith.constant 0 : i32
        %dma_wait3A_55 = arith.constant 0 : i32
        %dma_wait3A_56 = tpu.memref_slice %arg15[%dma_wait3A_54, %dma_wait3A_55] : memref<5120x64xf32, #tpu.memory_space<vmem_shared>> -> memref<5120x64xf32, #tpu.memory_space<vmem_shared>>
        tpu.wait_indirect_dma semaphore(%run_scoped3A : memref<!tpu.dma_semaphore, #tpu.memory_space<semaphore_mem>>) src(%arg11 : memref<128x64xf32, #tpu.memory_space<vmem>>) dst(%dma_wait3A_56 : memref<5120x64xf32, #tpu.memory_space<vmem_shared>>)
        tpu.yield
      }) : () -> ()
    }
    %scan3A_37 = arith.constant 157 : i32
    %barrier3A_38 = arith.constant 0 : index
    tpu.barrier barrier_id(%barrier3A_38)
    "tpu.region"() ({
      %run_scoped3A = tpu.sem_alloc : memref<!tpu.dma_semaphore, #tpu.memory_space<semaphore_mem>>
      %dma_start3A = arith.constant 0 : i32
      %dma_start3A_46 = tpu.memref_slice %arg15[%mul3A_0, %dma_start3A] : memref<5120x64xf32, #tpu.memory_space<vmem_shared>> -> memref<320x64xf32, #tpu.memory_space<vmem_shared>>
      %dma_start3A_47 = arith.constant 0 : i32
      %dma_start3A_48 = tpu.memref_slice %arg15[%mul3A_0, %dma_start3A_47] : memref<5120x64xf32, #tpu.memory_space<vmem_shared>> -> memref<320x64xf32, #tpu.memory_space<vmem_shared>>
      tpu.enqueue_dma source(%dma_start3A_48 : memref<320x64xf32, #tpu.memory_space<vmem_shared>>) target(%arg12 : memref<320x64xf32, #tpu.memory_space<vmem>>) target_semaphore(%run_scoped3A : memref<!tpu.dma_semaphore, #tpu.memory_space<semaphore_mem>>)
      %dma_wait3A = arith.constant 0 : i32
      %dma_wait3A_49 = tpu.memref_slice %arg15[%mul3A_0, %dma_wait3A] : memref<5120x64xf32, #tpu.memory_space<vmem_shared>> -> memref<320x64xf32, #tpu.memory_space<vmem_shared>>
      %dma_wait3A_50 = arith.constant 0 : i32
      %dma_wait3A_51 = tpu.memref_slice %arg15[%mul3A_0, %dma_wait3A_50] : memref<5120x64xf32, #tpu.memory_space<vmem_shared>> -> memref<320x64xf32, #tpu.memory_space<vmem_shared>>
      tpu.wait_dma2 semaphore(%run_scoped3A : memref<!tpu.dma_semaphore, #tpu.memory_space<semaphore_mem>>) src(%dma_wait3A_51 : memref<320x64xf32, #tpu.memory_space<vmem_shared>>) dst(%arg12 : memref<320x64xf32, #tpu.memory_space<vmem>>)
      tpu.yield
    }) : () -> ()
    %scan3A_39 = arith.constant 0 : i32
    %scan3A_40 = arith.constant 0 : i32
    %scan3A_41 = arith.constant 320 : i32
    %scan3A_42 = arith.addi %scan3A_40, %scan3A_41 : i32
    %scan3A_43 = arith.constant 1 : i32
    scf.for %scan3A_46 = %scan3A_40 to %scan3A_42 step %scan3A_43  : i32 {
      %get3A = arith.index_cast %scan3A_46 : i32 to index
      %get3A_47 = arith.constant 0 : index
      %get3A_48 = tpu.vector_load %arg14[%get3A, %get3A_47] {strides = array<i32>} : memref<320x64xf32, #tpu.memory_space<vmem>>, vector<16xf32>,
      %get3A_49 = arith.index_cast %scan3A_46 : i32 to index
      %get3A_50 = arith.constant 0 : index
      %get3A_51 = tpu.vector_load %arg12[%get3A_49, %get3A_50] {strides = array<i32>} : memref<320x64xf32, #tpu.memory_space<vmem>>, vector<16xf32>,
      %get3A_52 = arith.index_cast %scan3A_46 : i32 to index
      %get3A_53 = arith.constant 0 : index
      %get3A_54 = tpu.vector_load %arg13[%get3A_52, %get3A_53] {strides = array<i32>} : memref<320x64xf32, #tpu.memory_space<vmem>>, vector<16xf32>,
      %mul3A_55 = arith.mulf %get3A_51, %get3A_54 : vector<16xf32>
      %add3A_56 = arith.addf %get3A_48, %mul3A_55 : vector<16xf32>
      %mul3A_57 = arith.constant 0.333333343 : f32
      %mul3A_58 = vector.broadcast %mul3A_57 : f32 to vector<16xf32>
      %mul3A_59 = arith.mulf %add3A_56, %mul3A_58 : vector<16xf32>
      %swap3A = arith.index_cast %scan3A_46 : i32 to index
      %swap3A_60 = arith.constant 0 : index
      %swap3A_61 = tpu.vector_load %arg12[%swap3A, %swap3A_60] {strides = array<i32>} : memref<320x64xf32, #tpu.memory_space<vmem>>, vector<16xf32>,
      tpu.vector_store %arg12[%swap3A, %swap3A_60], %mul3A_59 {strides = array<i32>} : memref<320x64xf32, #tpu.memory_space<vmem>>, vector<16xf32>,
      %get3A_62 = arith.index_cast %scan3A_46 : i32 to index
      %get3A_63 = arith.constant 16 : index
      %get3A_64 = tpu.vector_load %arg14[%get3A_62, %get3A_63] {strides = array<i32>} : memref<320x64xf32, #tpu.memory_space<vmem>>, vector<16xf32>,
      %get3A_65 = arith.index_cast %scan3A_46 : i32 to index
      %get3A_66 = arith.constant 16 : index
      %get3A_67 = tpu.vector_load %arg12[%get3A_65, %get3A_66] {strides = array<i32>} : memref<320x64xf32, #tpu.memory_space<vmem>>, vector<16xf32>,
      %get3A_68 = arith.index_cast %scan3A_46 : i32 to index
      %get3A_69 = arith.constant 16 : index
      %get3A_70 = tpu.vector_load %arg13[%get3A_68, %get3A_69] {strides = array<i32>} : memref<320x64xf32, #tpu.memory_space<vmem>>, vector<16xf32>,
      %mul3A_71 = arith.mulf %get3A_67, %get3A_70 : vector<16xf32>
      %add3A_72 = arith.addf %get3A_64, %mul3A_71 : vector<16xf32>
      %mul3A_73 = arith.constant 0.333333343 : f32
      %mul3A_74 = vector.broadcast %mul3A_73 : f32 to vector<16xf32>
      %mul3A_75 = arith.mulf %add3A_72, %mul3A_74 : vector<16xf32>
      %swap3A_76 = arith.index_cast %scan3A_46 : i32 to index
      %swap3A_77 = arith.constant 16 : index
      %swap3A_78 = tpu.vector_load %arg12[%swap3A_76, %swap3A_77] {strides = array<i32>} : memref<320x64xf32, #tpu.memory_space<vmem>>, vector<16xf32>,
      tpu.vector_store %arg12[%swap3A_76, %swap3A_77], %mul3A_75 {strides = array<i32>} : memref<320x64xf32, #tpu.memory_space<vmem>>, vector<16xf32>,
      %get3A_79 = arith.index_cast %scan3A_46 : i32 to index
      %get3A_80 = arith.constant 32 : index
      %get3A_81 = tpu.vector_load %arg14[%get3A_79, %get3A_80] {strides = array<i32>} : memref<320x64xf32, #tpu.memory_space<vmem>>, vector<16xf32>,
      %get3A_82 = arith.index_cast %scan3A_46 : i32 to index
      %get3A_83 = arith.constant 32 : index
      %get3A_84 = tpu.vector_load %arg12[%get3A_82, %get3A_83] {strides = array<i32>} : memref<320x64xf32, #tpu.memory_space<vmem>>, vector<16xf32>,
      %get3A_85 = arith.index_cast %scan3A_46 : i32 to index
      %get3A_86 = arith.constant 32 : index
      %get3A_87 = tpu.vector_load %arg13[%get3A_85, %get3A_86] {strides = array<i32>} : memref<320x64xf32, #tpu.memory_space<vmem>>, vector<16xf32>,
      %mul3A_88 = arith.mulf %get3A_84, %get3A_87 : vector<16xf32>
      %add3A_89 = arith.addf %get3A_81, %mul3A_88 : vector<16xf32>
      %mul3A_90 = arith.constant 0.333333343 : f32
      %mul3A_91 = vector.broadcast %mul3A_90 : f32 to vector<16xf32>
      %mul3A_92 = arith.mulf %add3A_89, %mul3A_91 : vector<16xf32>
      %swap3A_93 = arith.index_cast %scan3A_46 : i32 to index
      %swap3A_94 = arith.constant 32 : index
      %swap3A_95 = tpu.vector_load %arg12[%swap3A_93, %swap3A_94] {strides = array<i32>} : memref<320x64xf32, #tpu.memory_space<vmem>>, vector<16xf32>,
      tpu.vector_store %arg12[%swap3A_93, %swap3A_94], %mul3A_92 {strides = array<i32>} : memref<320x64xf32, #tpu.memory_space<vmem>>, vector<16xf32>,
      %get3A_96 = arith.index_cast %scan3A_46 : i32 to index
      %get3A_97 = arith.constant 48 : index
      %get3A_98 = tpu.vector_load %arg14[%get3A_96, %get3A_97] {strides = array<i32>} : memref<320x64xf32, #tpu.memory_space<vmem>>, vector<16xf32>,
      %get3A_99 = arith.index_cast %scan3A_46 : i32 to index
      %get3A_100 = arith.constant 48 : index
      %get3A_101 = tpu.vector_load %arg12[%get3A_99, %get3A_100] {strides = array<i32>} : memref<320x64xf32, #tpu.memory_space<vmem>>, vector<16xf32>,
      %get3A_102 = arith.index_cast %scan3A_46 : i32 to index
      %get3A_103 = arith.constant 48 : index
      %get3A_104 = tpu.vector_load %arg13[%get3A_102, %get3A_103] {strides = array<i32>} : memref<320x64xf32, #tpu.memory_space<vmem>>, vector<16xf32>,
      %mul3A_105 = arith.mulf %get3A_101, %get3A_104 : vector<16xf32>
      %add3A_106 = arith.addf %get3A_98, %mul3A_105 : vector<16xf32>
      %mul3A_107 = arith.constant 0.333333343 : f32
      %mul3A_108 = vector.broadcast %mul3A_107 : f32 to vector<16xf32>
      %mul3A_109 = arith.mulf %add3A_106, %mul3A_108 : vector<16xf32>
      %swap3A_110 = arith.index_cast %scan3A_46 : i32 to index
      %swap3A_111 = arith.constant 48 : index
      %swap3A_112 = tpu.vector_load %arg12[%swap3A_110, %swap3A_111] {strides = array<i32>} : memref<320x64xf32, #tpu.memory_space<vmem>>, vector<16xf32>,
      tpu.vector_store %arg12[%swap3A_110, %swap3A_111], %mul3A_109 {strides = array<i32>} : memref<320x64xf32, #tpu.memory_space<vmem>>, vector<16xf32>,
    }
    %scan3A_44 = arith.constant 320 : i32
    %add3A_45 = arith.addi %mul3A_2, %mul3A_0 : i32
    "tpu.region"() ({
      %run_scoped3A = tpu.sem_alloc : memref<!tpu.dma_semaphore, #tpu.memory_space<semaphore_mem>>
      %dma_start3A = arith.constant 0 : i32
      %dma_start3A_46 = tpu.memref_slice %arg7[%add3A_45, %dma_start3A] : memref<10240x64xf32, #tpu.memory_space<hbm>> -> memref<320x64xf32, #tpu.memory_space<hbm>>
      %dma_start3A_47 = arith.constant 0 : i32
      %dma_start3A_48 = tpu.memref_slice %arg7[%add3A_45, %dma_start3A_47] : memref<10240x64xf32, #tpu.memory_space<hbm>> -> memref<320x64xf32, #tpu.memory_space<hbm>>
      tpu.enqueue_dma source(%arg12 : memref<320x64xf32, #tpu.memory_space<vmem>>) target(%dma_start3A_48 : memref<320x64xf32, #tpu.memory_space<hbm>>) target_semaphore(%run_scoped3A : memref<!tpu.dma_semaphore, #tpu.memory_space<semaphore_mem>>)
      %dma_wait3A = arith.constant 0 : i32
      %dma_wait3A_49 = tpu.memref_slice %arg7[%add3A_45, %dma_wait3A] : memref<10240x64xf32, #tpu.memory_space<hbm>> -> memref<320x64xf32, #tpu.memory_space<hbm>>
      %dma_wait3A_50 = arith.constant 0 : i32
      %dma_wait3A_51 = tpu.memref_slice %arg7[%add3A_45, %dma_wait3A_50] : memref<10240x64xf32, #tpu.memory_space<hbm>> -> memref<320x64xf32, #tpu.memory_space<hbm>>
      tpu.wait_dma2 semaphore(%run_scoped3A : memref<!tpu.dma_semaphore, #tpu.memory_space<semaphore_mem>>) src(%arg12 : memref<320x64xf32, #tpu.memory_space<vmem>>) dst(%dma_wait3A_51 : memref<320x64xf32, #tpu.memory_space<hbm>>)
      tpu.yield
    }) : () -> ()
    return
  }
}

#map = affine_map<(d0, d1) -> (0, 0, 0)>
#map1 = affine_map<(d0, d1) -> (0)>
module attributes {stable_mosaic.version = 14 : i64} {
  func.func @_deg_body(%arg0: i32, %arg1: i32, %arg2: memref<2x16x20000xi32, #tpu.memory_space<hbm>>, %arg3: memref<163840xf32, #tpu.memory_space<hbm>>, %arg4: memref<20000xi32, #tpu.memory_space<vmem>>, %arg5: memref<81920xf32, #tpu.memory_space<vmem>>) attributes {dimension_semantics = [#tpu.dimension_semantics<core_parallel>, #tpu.dimension_semantics<subcore_parallel>], iteration_bounds = array<i64: 2, 16>, scalar_prefetch = 0 : i64, scratch_operands = 2 : i64, tpu.core_type = #tpu.core_type<sc_vector_subcore>, window_params = [{transform_indices = #map}, {transform_indices = #map1}]} {
    %mul3A = arith.constant 16 : i32
    %mul3A_0 = arith.muli %arg0, %mul3A : i32
    %add3A = arith.addi %mul3A_0, %arg1 : i32
    "tpu.region"() ({
      %run_scoped3A = tpu.sem_alloc : memref<!tpu.dma_semaphore, #tpu.memory_space<semaphore_mem>>
      %dma_start3A = arith.constant 0 : i32
      %dma_start3A_23 = tpu.memref_slice %arg2[%arg0, %arg1, %dma_start3A] : memref<2x16x20000xi32, #tpu.memory_space<hbm>> -> memref<1x1x20000xi32, #tpu.memory_space<hbm>>
      %dma_start3A_24 = tpu.memref_squeeze %dma_start3A_23 : memref<1x1x20000xi32, #tpu.memory_space<hbm>> -> memref<20000xi32, #tpu.memory_space<hbm>>
      %dma_start3A_25 = arith.constant 0 : i32
      %dma_start3A_26 = tpu.memref_slice %arg2[%arg0, %arg1, %dma_start3A_25] : memref<2x16x20000xi32, #tpu.memory_space<hbm>> -> memref<1x1x20000xi32, #tpu.memory_space<hbm>>
      %dma_start3A_27 = tpu.memref_squeeze %dma_start3A_26 : memref<1x1x20000xi32, #tpu.memory_space<hbm>> -> memref<20000xi32, #tpu.memory_space<hbm>>
      tpu.enqueue_dma source(%dma_start3A_27 : memref<20000xi32, #tpu.memory_space<hbm>>) target(%arg4 : memref<20000xi32, #tpu.memory_space<vmem>>) target_semaphore(%run_scoped3A : memref<!tpu.dma_semaphore, #tpu.memory_space<semaphore_mem>>)
      %dma_wait3A = arith.constant 0 : i32
      %dma_wait3A_28 = tpu.memref_slice %arg2[%arg0, %arg1, %dma_wait3A] : memref<2x16x20000xi32, #tpu.memory_space<hbm>> -> memref<1x1x20000xi32, #tpu.memory_space<hbm>>
      %dma_wait3A_29 = tpu.memref_squeeze %dma_wait3A_28 : memref<1x1x20000xi32, #tpu.memory_space<hbm>> -> memref<20000xi32, #tpu.memory_space<hbm>>
      %dma_wait3A_30 = arith.constant 0 : i32
      %dma_wait3A_31 = tpu.memref_slice %arg2[%arg0, %arg1, %dma_wait3A_30] : memref<2x16x20000xi32, #tpu.memory_space<hbm>> -> memref<1x1x20000xi32, #tpu.memory_space<hbm>>
      %dma_wait3A_32 = tpu.memref_squeeze %dma_wait3A_31 : memref<1x1x20000xi32, #tpu.memory_space<hbm>> -> memref<20000xi32, #tpu.memory_space<hbm>>
      tpu.wait_dma2 semaphore(%run_scoped3A : memref<!tpu.dma_semaphore, #tpu.memory_space<semaphore_mem>>) src(%dma_wait3A_32 : memref<20000xi32, #tpu.memory_space<hbm>>) dst(%arg4 : memref<20000xi32, #tpu.memory_space<vmem>>)
      tpu.yield
    }) : () -> ()
    %broadcast_in_dim3A = arith.constant 0.000000e+00 : f32
    %broadcast_in_dim3A_1 = vector.broadcast %broadcast_in_dim3A : f32 to vector<16xf32>
    %broadcast_in_dim3A_2 = arith.constant 1.000000e+00 : f32
    %broadcast_in_dim3A_3 = vector.broadcast %broadcast_in_dim3A_2 : f32 to vector<16xf32>
    %iota3A = tpu.iota {dimensions = array<i32: 0>} : vector<16xi32>
    %scan3A = arith.constant 0 : i32
    %scan3A_4 = arith.constant 0 : i32
    %scan3A_5 = arith.constant 5120 : i32
    %scan3A_6 = arith.addi %scan3A_4, %scan3A_5 : i32
    %scan3A_7 = arith.constant 1 : i32
    scf.for %scan3A_23 = %scan3A_4 to %scan3A_6 step %scan3A_7  : i32 {
      %mul3A_24 = arith.constant 16 : i32
      %mul3A_25 = arith.muli %scan3A_23, %mul3A_24 : i32
      %swap3A = arith.index_cast %mul3A_25 : i32 to index
      %swap3A_26 = tpu.vector_load %arg5[%swap3A] {strides = array<i32>} : memref<81920xf32, #tpu.memory_space<vmem>>, vector<16xf32>,
      tpu.vector_store %arg5[%swap3A], %broadcast_in_dim3A_1 {strides = array<i32>} : memref<81920xf32, #tpu.memory_space<vmem>>, vector<16xf32>,
    }
    %scan3A_8 = arith.constant 5120 : i32
    %scan3A_9 = arith.constant 0 : i32
    %scan3A_10 = arith.constant 0 : i32
    %scan3A_11 = arith.constant 1250 : i32
    %scan3A_12 = arith.addi %scan3A_10, %scan3A_11 : i32
    %scan3A_13 = arith.constant 1 : i32
    scf.for %scan3A_23 = %scan3A_10 to %scan3A_12 step %scan3A_13  : i32 {
      %mul3A_24 = arith.constant 16 : i32
      %mul3A_25 = arith.muli %scan3A_23, %mul3A_24 : i32
      %get3A = arith.index_cast %mul3A_25 : i32 to index
      %get3A_26 = tpu.vector_load %arg4[%get3A] {strides = array<i32>} : memref<20000xi32, #tpu.memory_space<vmem>>, vector<16xi32>,
      %mul3A_27 = arith.constant 5120 : i32
      %mul3A_28 = vector.broadcast %mul3A_27 : i32 to vector<16xi32>
      %mul3A_29 = arith.muli %iota3A, %mul3A_28 : vector<16xi32>
      %add3A_30 = arith.addi %get3A_26, %mul3A_29 : vector<16xi32>
      tpu.vector_store_idx %arg5[%add3A_30], %broadcast_in_dim3A_3 {add = true} : memref<81920xf32, #tpu.memory_space<vmem>>[vector<16xi32>], vector<16xf32>,
    }
    %scan3A_14 = arith.constant 1250 : i32
    %scan3A_15 = arith.constant 0 : i32
    %scan3A_16 = arith.constant 0 : i32
    %scan3A_17 = arith.constant 320 : i32
    %scan3A_18 = arith.addi %scan3A_16, %scan3A_17 : i32
    %scan3A_19 = arith.constant 1 : i32
    scf.for %scan3A_23 = %scan3A_16 to %scan3A_18 step %scan3A_19  : i32 {
      %mul3A_24 = arith.constant 16 : i32
      %mul3A_25 = arith.muli %scan3A_23, %mul3A_24 : i32
      %get3A = arith.index_cast %mul3A_25 : i32 to index
      %get3A_26 = tpu.vector_load %arg5[%get3A] {strides = array<i32>} : memref<81920xf32, #tpu.memory_space<vmem>>, vector<16xf32>,
      %mul3A_27 = arith.constant 16 : i32
      %mul3A_28 = arith.muli %scan3A_23, %mul3A_27 : i32
      %add3A_29 = arith.constant 5120 : i32
      %add3A_30 = arith.addi %add3A_29, %mul3A_28 : i32
      %get3A_31 = arith.index_cast %add3A_30 : i32 to index
      %get3A_32 = tpu.vector_load %arg5[%get3A_31] {strides = array<i32>} : memref<81920xf32, #tpu.memory_space<vmem>>, vector<16xf32>,
      %add3A_33 = arith.addf %get3A_26, %get3A_32 : vector<16xf32>
      %mul3A_34 = arith.constant 16 : i32
      %mul3A_35 = arith.muli %scan3A_23, %mul3A_34 : i32
      %add3A_36 = arith.constant 10240 : i32
      %add3A_37 = arith.addi %add3A_36, %mul3A_35 : i32
      %get3A_38 = arith.index_cast %add3A_37 : i32 to index
      %get3A_39 = tpu.vector_load %arg5[%get3A_38] {strides = array<i32>} : memref<81920xf32, #tpu.memory_space<vmem>>, vector<16xf32>,
      %add3A_40 = arith.addf %add3A_33, %get3A_39 : vector<16xf32>
      %mul3A_41 = arith.constant 16 : i32
      %mul3A_42 = arith.muli %scan3A_23, %mul3A_41 : i32
      %add3A_43 = arith.constant 15360 : i32
      %add3A_44 = arith.addi %add3A_43, %mul3A_42 : i32
      %get3A_45 = arith.index_cast %add3A_44 : i32 to index
      %get3A_46 = tpu.vector_load %arg5[%get3A_45] {strides = array<i32>} : memref<81920xf32, #tpu.memory_space<vmem>>, vector<16xf32>,
      %add3A_47 = arith.addf %add3A_40, %get3A_46 : vector<16xf32>
      %mul3A_48 = arith.constant 16 : i32
      %mul3A_49 = arith.muli %scan3A_23, %mul3A_48 : i32
      %add3A_50 = arith.constant 20480 : i32
      %add3A_51 = arith.addi %add3A_50, %mul3A_49 : i32
      %get3A_52 = arith.index_cast %add3A_51 : i32 to index
      %get3A_53 = tpu.vector_load %arg5[%get3A_52] {strides = array<i32>} : memref<81920xf32, #tpu.memory_space<vmem>>, vector<16xf32>,
      %add3A_54 = arith.addf %add3A_47, %get3A_53 : vector<16xf32>
      %mul3A_55 = arith.constant 16 : i32
      %mul3A_56 = arith.muli %scan3A_23, %mul3A_55 : i32
      %add3A_57 = arith.constant 25600 : i32
      %add3A_58 = arith.addi %add3A_57, %mul3A_56 : i32
      %get3A_59 = arith.index_cast %add3A_58 : i32 to index
      %get3A_60 = tpu.vector_load %arg5[%get3A_59] {strides = array<i32>} : memref<81920xf32, #tpu.memory_space<vmem>>, vector<16xf32>,
      %add3A_61 = arith.addf %add3A_54, %get3A_60 : vector<16xf32>
      %mul3A_62 = arith.constant 16 : i32
      %mul3A_63 = arith.muli %scan3A_23, %mul3A_62 : i32
      %add3A_64 = arith.constant 30720 : i32
      %add3A_65 = arith.addi %add3A_64, %mul3A_63 : i32
      %get3A_66 = arith.index_cast %add3A_65 : i32 to index
      %get3A_67 = tpu.vector_load %arg5[%get3A_66] {strides = array<i32>} : memref<81920xf32, #tpu.memory_space<vmem>>, vector<16xf32>,
      %add3A_68 = arith.addf %add3A_61, %get3A_67 : vector<16xf32>
      %mul3A_69 = arith.constant 16 : i32
      %mul3A_70 = arith.muli %scan3A_23, %mul3A_69 : i32
      %add3A_71 = arith.constant 35840 : i32
      %add3A_72 = arith.addi %add3A_71, %mul3A_70 : i32
      %get3A_73 = arith.index_cast %add3A_72 : i32 to index
      %get3A_74 = tpu.vector_load %arg5[%get3A_73] {strides = array<i32>} : memref<81920xf32, #tpu.memory_space<vmem>>, vector<16xf32>,
      %add3A_75 = arith.addf %add3A_68, %get3A_74 : vector<16xf32>
      %mul3A_76 = arith.constant 16 : i32
      %mul3A_77 = arith.muli %scan3A_23, %mul3A_76 : i32
      %add3A_78 = arith.constant 40960 : i32
      %add3A_79 = arith.addi %add3A_78, %mul3A_77 : i32
      %get3A_80 = arith.index_cast %add3A_79 : i32 to index
      %get3A_81 = tpu.vector_load %arg5[%get3A_80] {strides = array<i32>} : memref<81920xf32, #tpu.memory_space<vmem>>, vector<16xf32>,
      %add3A_82 = arith.addf %add3A_75, %get3A_81 : vector<16xf32>
      %mul3A_83 = arith.constant 16 : i32
      %mul3A_84 = arith.muli %scan3A_23, %mul3A_83 : i32
      %add3A_85 = arith.constant 46080 : i32
      %add3A_86 = arith.addi %add3A_85, %mul3A_84 : i32
      %get3A_87 = arith.index_cast %add3A_86 : i32 to index
      %get3A_88 = tpu.vector_load %arg5[%get3A_87] {strides = array<i32>} : memref<81920xf32, #tpu.memory_space<vmem>>, vector<16xf32>,
      %add3A_89 = arith.addf %add3A_82, %get3A_88 : vector<16xf32>
      %mul3A_90 = arith.constant 16 : i32
      %mul3A_91 = arith.muli %scan3A_23, %mul3A_90 : i32
      %add3A_92 = arith.constant 51200 : i32
      %add3A_93 = arith.addi %add3A_92, %mul3A_91 : i32
      %get3A_94 = arith.index_cast %add3A_93 : i32 to index
      %get3A_95 = tpu.vector_load %arg5[%get3A_94] {strides = array<i32>} : memref<81920xf32, #tpu.memory_space<vmem>>, vector<16xf32>,
      %add3A_96 = arith.addf %add3A_89, %get3A_95 : vector<16xf32>
      %mul3A_97 = arith.constant 16 : i32
      %mul3A_98 = arith.muli %scan3A_23, %mul3A_97 : i32
      %add3A_99 = arith.constant 56320 : i32
      %add3A_100 = arith.addi %add3A_99, %mul3A_98 : i32
      %get3A_101 = arith.index_cast %add3A_100 : i32 to index
      %get3A_102 = tpu.vector_load %arg5[%get3A_101] {strides = array<i32>} : memref<81920xf32, #tpu.memory_space<vmem>>, vector<16xf32>,
      %add3A_103 = arith.addf %add3A_96, %get3A_102 : vector<16xf32>
      %mul3A_104 = arith.constant 16 : i32
      %mul3A_105 = arith.muli %scan3A_23, %mul3A_104 : i32
      %add3A_106 = arith.constant 61440 : i32
      %add3A_107 = arith.addi %add3A_106, %mul3A_105 : i32
      %get3A_108 = arith.index_cast %add3A_107 : i32 to index
      %get3A_109 = tpu.vector_load %arg5[%get3A_108] {strides = array<i32>} : memref<81920xf32, #tpu.memory_space<vmem>>, vector<16xf32>,
      %add3A_110 = arith.addf %add3A_103, %get3A_109 : vector<16xf32>
      %mul3A_111 = arith.constant 16 : i32
      %mul3A_112 = arith.muli %scan3A_23, %mul3A_111 : i32
      %add3A_113 = arith.constant 66560 : i32
      %add3A_114 = arith.addi %add3A_113, %mul3A_112 : i32
      %get3A_115 = arith.index_cast %add3A_114 : i32 to index
      %get3A_116 = tpu.vector_load %arg5[%get3A_115] {strides = array<i32>} : memref<81920xf32, #tpu.memory_space<vmem>>, vector<16xf32>,
      %add3A_117 = arith.addf %add3A_110, %get3A_116 : vector<16xf32>
      %mul3A_118 = arith.constant 16 : i32
      %mul3A_119 = arith.muli %scan3A_23, %mul3A_118 : i32
      %add3A_120 = arith.constant 71680 : i32
      %add3A_121 = arith.addi %add3A_120, %mul3A_119 : i32
      %get3A_122 = arith.index_cast %add3A_121 : i32 to index
      %get3A_123 = tpu.vector_load %arg5[%get3A_122] {strides = array<i32>} : memref<81920xf32, #tpu.memory_space<vmem>>, vector<16xf32>,
      %add3A_124 = arith.addf %add3A_117, %get3A_123 : vector<16xf32>
      %mul3A_125 = arith.constant 16 : i32
      %mul3A_126 = arith.muli %scan3A_23, %mul3A_125 : i32
      %add3A_127 = arith.constant 76800 : i32
      %add3A_128 = arith.addi %add3A_127, %mul3A_126 : i32
      %get3A_129 = arith.index_cast %add3A_128 : i32 to index
      %get3A_130 = tpu.vector_load %arg5[%get3A_129] {strides = array<i32>} : memref<81920xf32, #tpu.memory_space<vmem>>, vector<16xf32>,
      %add3A_131 = arith.addf %add3A_124, %get3A_130 : vector<16xf32>
      %mul3A_132 = arith.constant 16 : i32
      %mul3A_133 = arith.muli %scan3A_23, %mul3A_132 : i32
      %swap3A = arith.index_cast %mul3A_133 : i32 to index
      %swap3A_134 = tpu.vector_load %arg5[%swap3A] {strides = array<i32>} : memref<81920xf32, #tpu.memory_space<vmem>>, vector<16xf32>,
      tpu.vector_store %arg5[%swap3A], %add3A_131 {strides = array<i32>} : memref<81920xf32, #tpu.memory_space<vmem>>, vector<16xf32>,
    }
    %scan3A_20 = arith.constant 320 : i32
    %mul3A_21 = arith.constant 5120 : i32
    %mul3A_22 = arith.muli %add3A, %mul3A_21 : i32
    "tpu.region"() ({
      %run_scoped3A = tpu.sem_alloc : memref<!tpu.dma_semaphore, #tpu.memory_space<semaphore_mem>>
      %dma_start3A = arith.constant 0 : i32
      %dma_start3A_23 = tpu.memref_slice %arg5[%dma_start3A] : memref<81920xf32, #tpu.memory_space<vmem>> -> memref<5120xf32, #tpu.memory_space<vmem>>
      %dma_start3A_24 = tpu.memref_slice %arg3[%mul3A_22] : memref<163840xf32, #tpu.memory_space<hbm>> -> memref<5120xf32, #tpu.memory_space<hbm>>
      %dma_start3A_25 = tpu.memref_slice %arg3[%mul3A_22] : memref<163840xf32, #tpu.memory_space<hbm>> -> memref<5120xf32, #tpu.memory_space<hbm>>
      %dma_start3A_26 = arith.constant 0 : i32
      %dma_start3A_27 = tpu.memref_slice %arg5[%dma_start3A_26] : memref<81920xf32, #tpu.memory_space<vmem>> -> memref<5120xf32, #tpu.memory_space<vmem>>
      tpu.enqueue_dma source(%dma_start3A_27 : memref<5120xf32, #tpu.memory_space<vmem>>) target(%dma_start3A_25 : memref<5120xf32, #tpu.memory_space<hbm>>) target_semaphore(%run_scoped3A : memref<!tpu.dma_semaphore, #tpu.memory_space<semaphore_mem>>)
      %dma_wait3A = arith.constant 0 : i32
      %dma_wait3A_28 = tpu.memref_slice %arg5[%dma_wait3A] : memref<81920xf32, #tpu.memory_space<vmem>> -> memref<5120xf32, #tpu.memory_space<vmem>>
      %dma_wait3A_29 = tpu.memref_slice %arg3[%mul3A_22] : memref<163840xf32, #tpu.memory_space<hbm>> -> memref<5120xf32, #tpu.memory_space<hbm>>
      %dma_wait3A_30 = tpu.memref_slice %arg3[%mul3A_22] : memref<163840xf32, #tpu.memory_space<hbm>> -> memref<5120xf32, #tpu.memory_space<hbm>>
      %dma_wait3A_31 = arith.constant 0 : i32
      %dma_wait3A_32 = tpu.memref_slice %arg5[%dma_wait3A_31] : memref<81920xf32, #tpu.memory_space<vmem>> -> memref<5120xf32, #tpu.memory_space<vmem>>
      tpu.wait_dma2 semaphore(%run_scoped3A : memref<!tpu.dma_semaphore, #tpu.memory_space<semaphore_mem>>) src(%dma_wait3A_32 : memref<5120xf32, #tpu.memory_space<vmem>>) dst(%dma_wait3A_30 : memref<5120xf32, #tpu.memory_space<hbm>>)
      tpu.yield
    }) : () -> ()
    return
  }
}

module attributes {stable_mosaic.version = 14 : i64} {
  func.func @_prep_body(%arg0: memref<5000x128xf32, #tpu.memory_space<vmem>>, %arg1: memref<5000x128xf32, #tpu.memory_space<vmem>>, %arg2: memref<128x128xf32, #tpu.memory_space<vmem>>, %arg3: memref<128xf32, #tpu.memory_space<vmem>>, %arg4: memref<128x128xf32, #tpu.memory_space<vmem>>, %arg5: memref<128xf32, #tpu.memory_space<vmem>>, %arg6: memref<163840xf32, #tpu.memory_space<vmem>>, %arg7: memref<5000x128xf32, #tpu.memory_space<vmem>>, %arg8: memref<10240x64xf32, #tpu.memory_space<vmem>>, %arg9: memref<10240x64xf32, #tpu.memory_space<vmem>>, %arg10: memref<5120x64xf32, #tpu.memory_space<vmem>>) attributes {dimension_semantics = [], scalar_prefetch = 0 : i64, scratch_operands = 0 : i64, tpu.core_type = #tpu.core_type<tc>} {
    %get3A = arith.constant 0 : index
    %get3A_0 = arith.constant 0 : index
    %get3A_1 = vector.load %arg0[%get3A, %get3A_0] : memref<5000x128xf32, #tpu.memory_space<vmem>>, vector<5000x128xf32>
    %get3A_2 = arith.constant 0 : index
    %get3A_3 = arith.constant 0 : index
    %get3A_4 = vector.load %arg2[%get3A_2, %get3A_3] : memref<128x128xf32, #tpu.memory_space<vmem>>, vector<128x128xf32>
    %dot_general3A = arith.constant dense<0.000000e+00> : vector<5000x128xf32>
    %dot_general3A_5 = tpu.matmul %get3A_1, %get3A_4, %dot_general3A {dimension_numbers = #tpu.dot_dimension_numbers<[1], [0], [0], [1], [0, 0, 1, 1], [], []>, transpose_lhs_hint = false} : vector<5000x128xf32>, vector<128x128xf32>, vector<5000x128xf32> -> vector<5000x128xf32>
    %get3A_6 = arith.constant 0 : index
    %get3A_7 = vector.load %arg3[%get3A_6] : memref<128xf32, #tpu.memory_space<vmem>>, vector<128xf32>
    %broadcast_in_dim3A = vector.shape_cast %get3A_7 : vector<128xf32> to vector<1x128xf32>
    %add3A = vector.broadcast %broadcast_in_dim3A : vector<1x128xf32> to vector<5000x128xf32>
    %add3A_8 = arith.addf %dot_general3A_5, %add3A : vector<5000x128xf32>
    %get3A_9 = arith.constant 0 : index
    %get3A_10 = arith.constant 0 : index
    %get3A_11 = vector.load %arg1[%get3A_9, %get3A_10] : memref<5000x128xf32, #tpu.memory_space<vmem>>, vector<5000x128xf32>
    %get3A_12 = arith.constant 0 : index
    %get3A_13 = arith.constant 0 : index
    %get3A_14 = vector.load %arg4[%get3A_12, %get3A_13] : memref<128x128xf32, #tpu.memory_space<vmem>>, vector<128x128xf32>
    %dot_general3A_15 = arith.constant dense<0.000000e+00> : vector<5000x128xf32>
    %dot_general3A_16 = tpu.matmul %get3A_11, %get3A_14, %dot_general3A_15 {dimension_numbers = #tpu.dot_dimension_numbers<[1], [0], [0], [1], [0, 0, 1, 1], [], []>, transpose_lhs_hint = false} : vector<5000x128xf32>, vector<128x128xf32>, vector<5000x128xf32> -> vector<5000x128xf32>
    %get3A_17 = arith.constant 0 : index
    %get3A_18 = vector.load %arg5[%get3A_17] : memref<128xf32, #tpu.memory_space<vmem>>, vector<128xf32>
    %broadcast_in_dim3A_19 = vector.shape_cast %get3A_18 : vector<128xf32> to vector<1x128xf32>
    %add3A_20 = vector.broadcast %broadcast_in_dim3A_19 : vector<1x128xf32> to vector<5000x128xf32>
    %add3A_21 = arith.addf %dot_general3A_16, %add3A_20 : vector<5000x128xf32>
    %mul3A = arith.constant 0.333333343 : f32
    %mul3A_22 = vector.broadcast %mul3A : f32 to vector<5000x128xf32>
    %mul3A_23 = arith.mulf %add3A_21, %mul3A_22 : vector<5000x128xf32>
    %swap3A = arith.constant 0 : index
    %swap3A_24 = arith.constant 0 : index
    %swap3A_25 = vector.load %arg7[%swap3A, %swap3A_24] : memref<5000x128xf32, #tpu.memory_space<vmem>>, vector<5000x128xf32>
    tpu.vector_store %arg7[%swap3A, %swap3A_24], %mul3A_23 {strides = array<i32>} : memref<5000x128xf32, #tpu.memory_space<vmem>>, vector<5000x128xf32>,
    %get3A_26 = arith.constant 0 : index
    %get3A_27 = vector.load %arg6[%get3A_26] : memref<163840xf32, #tpu.memory_space<vmem>>, vector<163840xf32>
    %reshape3A = vector.shape_cast %get3A_27 : vector<163840xf32> to vector<32x5120xf32>
    %reduce_sum3A = arith.constant dense<0.000000e+00> : vector<5120xf32>
    %reduce_sum3A_28 = vector.multi_reduction <add>, %reshape3A, %reduce_sum3A [0] : vector<32x5120xf32> to vector<5120xf32>
    %gt3A = arith.constant 0.000000e+00 : f32
    %gt3A_29 = vector.broadcast %gt3A : f32 to vector<5120xf32>
    %gt3A_30 = arith.cmpf ogt, %reduce_sum3A_28, %gt3A_29 : vector<5120xf32>
    %sqrt3A = math.sqrt %reduce_sum3A_28 : vector<5120xf32>
    %div3A = arith.constant 1.000000e+00 : f32
    %div3A_31 = vector.broadcast %div3A : f32 to vector<5120xf32>
    %div3A_32 = arith.divf %div3A_31, %sqrt3A : vector<5120xf32>
    %jit3A = arith.constant 0.000000e+00 : f32
    %broadcast_in_dim3A_33 = vector.broadcast %jit3A : f32 to vector<5120xf32>
    %select_n3A = arith.select %gt3A_30, %div3A_32, %broadcast_in_dim3A_33 : vector<5120xi1>, vector<5120xf32>
    %broadcast_in_dim3A_34 = arith.constant 0.000000e+00 : f32
    %broadcast_in_dim3A_35 = vector.broadcast %broadcast_in_dim3A_34 : f32 to vector<120x128xf32>
    %concatenate3A = tpu.concatenate %add3A_8, %broadcast_in_dim3A_35 in 0 : vector<5000x128xf32>, vector<120x128xf32> -> vector<5120x128xf32>
    %broadcast_in_dim3A_36 = vector.shape_cast %select_n3A : vector<5120xf32> to vector<5120x1xf32>
    %mul3A_37 = vector.broadcast %broadcast_in_dim3A_36 : vector<5120x1xf32> to vector<5120x128xf32>
    %mul3A_38 = arith.mulf %mul3A_37, %concatenate3A : vector<5120x128xf32>
    %slice3A = vector.extract_strided_slice %mul3A_38 {offsets = [0, 0], sizes = [5120, 64], strides = [1, 1]} : vector<5120x128xf32> to vector<5120x64xf32>
    %slice3A_39 = vector.extract_strided_slice %mul3A_38 {offsets = [0, 64], sizes = [5120, 64], strides = [1, 1]} : vector<5120x128xf32> to vector<5120x64xf32>
    %concatenate3A_40 = tpu.concatenate %slice3A, %slice3A_39 in 0 : vector<5120x64xf32>, vector<5120x64xf32> -> vector<10240x64xf32>
    %swap3A_41 = arith.constant 0 : index
    %swap3A_42 = arith.constant 0 : index
    %swap3A_43 = vector.load %arg8[%swap3A_41, %swap3A_42] : memref<10240x64xf32, #tpu.memory_space<vmem>>, vector<10240x64xf32>
    tpu.vector_store %arg8[%swap3A_41, %swap3A_42], %concatenate3A_40 {strides = array<i32>} : memref<10240x64xf32, #tpu.memory_space<vmem>>, vector<10240x64xf32>,
    %slice3A_44 = vector.extract_strided_slice %concatenate3A {offsets = [0, 0], sizes = [5120, 64], strides = [1, 1]} : vector<5120x128xf32> to vector<5120x64xf32>
    %slice3A_45 = vector.extract_strided_slice %concatenate3A {offsets = [0, 64], sizes = [5120, 64], strides = [1, 1]} : vector<5120x128xf32> to vector<5120x64xf32>
    %concatenate3A_46 = tpu.concatenate %slice3A_44, %slice3A_45 in 0 : vector<5120x64xf32>, vector<5120x64xf32> -> vector<10240x64xf32>
    %swap3A_47 = arith.constant 0 : index
    %swap3A_48 = arith.constant 0 : index
    %swap3A_49 = vector.load %arg9[%swap3A_47, %swap3A_48] : memref<10240x64xf32, #tpu.memory_space<vmem>>, vector<10240x64xf32>
    tpu.vector_store %arg9[%swap3A_47, %swap3A_48], %concatenate3A_46 {strides = array<i32>} : memref<10240x64xf32, #tpu.memory_space<vmem>>, vector<10240x64xf32>,
    %broadcast_in_dim3A_50 = vector.shape_cast %select_n3A : vector<5120xf32> to vector<5120x1xf32>
    %broadcast_in_dim3A_51 = vector.shape_cast %broadcast_in_dim3A_50 : vector<5120x1xf32> to vector<5120x1xf32>
    %broadcast_in_dim3A_52 = vector.broadcast %broadcast_in_dim3A_51 : vector<5120x1xf32> to vector<5120x64xf32>
    %swap3A_53 = arith.constant 0 : index
    %swap3A_54 = arith.constant 0 : index
    %swap3A_55 = vector.load %arg10[%swap3A_53, %swap3A_54] : memref<5120x64xf32, #tpu.memory_space<vmem>>, vector<5120x64xf32>
    tpu.vector_store %arg10[%swap3A_53, %swap3A_54], %broadcast_in_dim3A_52 {strides = array<i32>} : memref<5120x64xf32, #tpu.memory_space<vmem>>, vector<5120x64xf32>,
    return
  }
}

</mosaic_0001>

<sc_bundles>
// kernel: kernel.5.cloned.1.call-start
scs
__scs_entry_jumppad:
0x0: {  	(pc) =	sbr.rel $0x88, $3  }
0x1: {  	(tag) =	ssettag $0x0;
	lr =	simm.s32 $0x1  }
0x2: {  	[smem:$0x3F99] =	sst lr;
	_ =	strace $0xD0000000  }
0x3: {  	_ = 	snop  }
0x4: {  	_ = 	snop  }
0x5: {  	_ = 	snop  }
0x6: {  	_ = 	snop  }
0x7: {  	_ = 	snop  }
__scs_overlays_trampoline_lowered:
0x8: {  	[smem:$0x3FA8] =	sst s0  }
0x9: {  	[smem:$0x3FA9] =	sst s1  }
0xa: {  	[smem:$0x3FAA] =	sst s2  }
0xb: {  	[smem:$0x3FAB] =	sst s3  }
0xc: {  	[smem:$0x3FAC] =	sst s4  }
0xd: {  	[smem:$0x3FAD] =	sst s5  }
0xe: {  	[smem:$0x3FAE] =	sst s6  }
0xf: {  	[smem:$0x3FAF] =	sst s7  }
0x10: {  	[smem:$0x3FB0] =	sst s8  }
0x11: {  	[smem:$0x3FB1] =	sst s9;
	s0 =	simm.s32 @!p0 $0x0  }
0x12: {  	s1 =	sld [smem:$0x3F97];
	s0 =	simm.s32 @p0 $0x1  }
0x13: {  	[smem:$0x3FB2] =	sst s0;
	s0 =	simm.s32 @!p1 $0x0  }
0x14: {  	s2 =	sld [smem:$0x3F96];
	s0 =	simm.s32 @p1 $0x1  }
0x15: {  	[smem:$0x3FB3] =	sst s0;
	s0 =	simm.s32 @!p2 $0x0  }
0x16: {  	s3 =	sld [smem:$0x3FDB];
	s0 =	simm.s32 @p2 $0x1  }
0x17: {  	s4 =	simm.s32 $0x1BF5;
	[smem:$0x3FB5] =	sst s0  }
0x18: {  	s0 =	sld [smem:$0x3F98];
	_ =	swait.ge [sflag:s4], $0x0  }
0x19: {  	s7 =	sld [smem:$0x3F99]  }
0x1a: {  	s8 =	sadd.s32 $0xFFFFE003, lr  }
0x1b: {  	s9 =	sadd.s32 $0xFFFFFEF7, lr;
	s5 =	simm.s32 $0xFFFFFFFF;
	p2 =	slt.u32 s8, $0xFFFFF086  }
0x1c: {  	p1 =	slt.u32 s9, $0xF7A;
	s5 =	simm.s32 @!p2 $0x0  }
0x1d: {  	s5 =	simm.s32 @p1 $0x1;
	p0 =	seq.s32 s7, s2  }
0x1e: {  	s7 =	smul.u32 @!p0 $0xF7A, s2;
	p2 =	seq.s32 @!p0 s5, $0x0  }
0x1f: {  	s9 =	smul.u32 $0xF7A, s1;
	s8 =	simm.s32 @!p0 $0x1BF5;
	p2 =	por !p2, p0  }
0x20: {  	[sflag:s8] =	ssyncset.s32 @!p0 $0xFFFFF086;
	s6 =	sadd.s32 @!p0 s3, s7;
	s7 =	simm.s32 @!p0 $0x108  }
0x21: {  	s3 =	sadd.s32 s3, s9;
	s6 =	sadd.s32 @!p0 $0x88, s6;
	s7 =	simm.s32 @p2 $0x1082  }
0x22: {  	[simem:s7], [sflag:s8] =	dma.local @!p0 [hbm:s6], $0xF7A  }
0x23: {  	s9 =	sor.u32 $0xD0000000, s2;
	s6 =	simm.s32 $0x108;
	_ =	swait.ge @!p0 [sflag:s8], $0x0  }
0x24: {  	s3 =	sadd.s32 $0x88, s3;
	s6 =	simm.s32 @!p1 $0x1082;
	[sflag:s4] =	ssyncset.s32 $0xFFFFF086  }
0x25: {  	[simem:s6], [sflag:s4] =	dma.local [hbm:s3], $0xF7A  }
0x26: {  	[smem:$0x3F99] =	sst s1;
	(tag) =	ssettag s2;
	_ =	strace s9  }
0x27: {  	s1 =	sld [smem:$0x3FA9]  }
0x28: {  	s2 =	sld [smem:$0x3FAA]  }
0x29: {  	s4 =	sld [smem:$0x3FAC]  }
0x2a: {  	p0 =	seq.s32 s5, $0x0;
	s5 =	sld [smem:$0x3FAD]  }
0x2b: {  	s6 =	sld [smem:$0x3FAE]  }
0x2c: {  	s7 =	sld [smem:$0x3FAF]  }
0x2d: {  	s3 =	simm.s32 $0x108;
	s8 =	sld [smem:$0x3FB0]  }
0x2e: {  	s3 =	simm.s32 @!p0 $0x1082;
	s9 =	sld [smem:$0x3FB1]  }
0x2f: {  	lr =	sadd.s32 s0, s3;
	s0 =	sld [smem:$0x3FA8]  }
0x30: {  	s3 =	sld [smem:$0x3FAB]  }
0x31: {  	[smem:$0x3FB4] =	sst s10  }
0x32: {  	s10 =	sld [smem:$0x3FB2];
	_ =	sdelay $0x3  }
0x33: {  	p0 =	seq.s32 s10, $0x1;
	s10 =	sld [smem:$0x3FB4];
	_ =	sdelay $0x3  }
0x34: {  	[smem:$0x3FB4] =	sst s10  }
0x35: {  	s10 =	sld [smem:$0x3FB3];
	_ =	sdelay $0x3  }
0x36: {  	p1 =	seq.s32 s10, $0x1;
	s10 =	sld [smem:$0x3FB4];
	_ =	sdelay $0x3  }
0x37: {  	[smem:$0x3FB4] =	sst s10  }
0x38: {  	s10 =	sld [smem:$0x3FB5]  }
0x39: {  	_ = 	snop;
	(pc) =	sbr.ind lr, $3  }
0x3a: {  	_ = 	snop  }
0x3b: {  	_ = 	snop  }
0x3c: {  	p2 =	seq.s32 s10, $0x1;
	s10 =	sld [smem:$0x3FB4]  }
0x3d: {  	_ =	shalt  }
0x3e: {  	_ =	shalt  }
0x3f: {  	_ =	shalt  }
0x40: {  	_ =	shalt  }
0x41: {  	_ =	shalt  }
0x42: {  	_ =	shalt  }
0x43: {  	_ =	shalt  }
0x44: {  	_ =	shalt  }
0x45: {  	_ =	shalt  }
0x46: {  	_ =	shalt  }
0x47: {  	_ =	shalt  }
0x48: {  	_ =	shalt  }
0x49: {  	_ =	shalt  }
0x4a: {  	_ =	shalt  }
0x4b: {  	_ =	shalt  }
0x4c: {  	_ =	shalt  }
0x4d: {  	_ =	shalt  }
0x4e: {  	_ =	shalt  }
0x4f: {  	_ =	shalt  }
0x50: {  	_ =	shalt  }
0x51: {  	_ =	shalt  }
0x52: {  	_ =	shalt  }
0x53: {  	_ =	shalt  }
0x54: {  	_ =	shalt  }
0x55: {  	_ =	shalt  }
0x56: {  	_ =	shalt  }
0x57: {  	_ =	shalt  }
0x58: {  	_ =	shalt  }
0x59: {  	_ =	shalt  }
0x5a: {  	_ =	shalt  }
0x5b: {  	_ =	shalt  }
0x5c: {  	_ =	shalt  }
0x5d: {  	_ =	shalt  }
0x5e: {  	_ =	shalt  }
0x5f: {  	_ =	shalt  }
0x60: {  	_ =	shalt  }
0x61: {  	_ =	shalt  }
0x62: {  	_ =	shalt  }
0x63: {  	_ =	shalt  }
0x64: {  	_ =	shalt  }
0x65: {  	_ =	shalt  }
0x66: {  	_ =	shalt  }
0x67: {  	_ =	shalt  }
0x68: {  	_ =	shalt  }
0x69: {  	_ =	shalt  }
0x6a: {  	_ =	shalt  }
0x6b: {  	_ =	shalt  }
0x6c: {  	_ =	shalt  }
0x6d: {  	_ =	shalt  }
0x6e: {  	_ =	shalt  }
0x6f: {  	_ =	shalt  }
0x70: {  	_ =	shalt  }
0x71: {  	_ =	shalt  }
0x72: {  	_ =	shalt  }
0x73: {  	_ =	shalt  }
0x74: {  	_ =	shalt  }
0x75: {  	_ =	shalt  }
0x76: {  	_ =	shalt  }
0x77: {  	_ =	shalt  }
0x78: {  	_ =	shalt  }
0x79: {  	_ =	shalt  }
0x7a: {  	_ =	shalt  }
0x7b: {  	_ =	shalt  }
0x7c: {  	_ =	shalt  }
0x7d: {  	_ =	shalt  }
0x7e: {  	_ =	shalt  }
0x7f: {  	_ =	shalt  }
0x80: {  	_ =	shalt  }
0x81: {  	_ =	shalt  }
0x82: {  	_ =	shalt  }
0x83: {  	_ =	shalt  }
0x84: {  	_ =	shalt  }
0x85: {  	_ =	shalt  }
0x86: {  	_ =	shalt  }
0x87: {  	_ =	shalt  }
.Lfunc_end0:
.L_simem_size_0:
called_computation_lowered:
.L_overlay_start_0:
0x88: {  	s2 =	sld [smem:$0x3FD9]  }
0x89: {  	s3 =	sld [smem:$0x3FFE];
	_ =	sdelay $0x1  }
0x8a: {  	s1 =	srdreg.scid  }
0x8b: {  	s0 =	sand.u32 $0x1, s1  }
0x8c: {  	s14 =	sshll.u32 s0, $0xA;
	s2 =	sadd.s32 s3, s2  }
0x8d: {  	s2 =	sadd.s32 s2, s14  }
0x8e: {  	[smem:$0x3FC0] =	sst s2  }
0x8f: {  	_ = 	snop  }
0x90: {  	s2 =	sld [smem:$0x3FD0];
	_ =	sdelay $0x2  }
0x91: {  	s15 =	simm.s32 $0xA;
	s4 =	simm.s32 $0x10  }
0x92: {  	[smem:s4], [sflag:s15] =	dma.local [hbm:s2], $0x1  }
0x93: {  	_ =	swait.eq [sflag:s15], $0x1  }
0x94: {  	[sflag:s15] =	ssyncset.done $0x0  }
0x95: {  	[sflag:s15] =	ssyncadd.s32 $0xFFFFFFFF  }
0x96: {  	s16 =	sld [smem:$0x10];
	(tm) =	ssettm $0x1  }
0x97: {  	s17 =	sld [smem:$0x3FFB];
	_ =	sdelay $0x3  }
0x98: {  	_ =	strace s17  }
0x99: {  	s3 =	sld [smem:$0x3FFC];
	_ =	sdelay $0x3  }
0x9a: {  	_ =	strace s3  }
0x9b: {  	s3 =	sld [smem:$0x3FFD];
	_ =	sdelay $0x3  }
0x9c: {  	_ =	strace s3  }
0x9d: {  	_ =	strace $0x8FFFFFFF  }
0x9e: {  	s18 =	sld [smem:$0x3FDB];
	_ =	sdelay $0x1  }
0x9f: {  	s19 =	simm.s32 $_scs_section_size  }
0xa0: {  	s5 =	simm.s32 $_size__tile_overlayer_lowered;
	s6 =	simm.s32 $_tile_overlayer_lowered  }
0xa1: {  	s22 =	simm.s32 $0x1BFF;
	s21 =	sshll.u32 s6, $0x1;
	s3 =	sadd.s32 s19, s18  }
0xa2: {  	s7 =	simm.s32 $0x0;
	s20 =	sshll.u32 s5, $0x1;
	s5 =	sadd.s32 s21, s3  }
0xa3: {  	[timem:s7], [sflag:s22] =	dma.local [hbm:s5], s20  }
0xa4: {  	_ =	swait.ge [sflag:s22], s20  }
0xa5: {  	s4 =	ssub.s32 $0x0, s20;
	[sflag:s22] =	ssyncset.done $0x0  }
0xa6: {  	[sflag:s22] =	ssyncadd.s32 s4;
	_ =	sdelay $0x1  }
0xa7: {  	s23 =	simm.s32 $0x1B8B  }
0xa8: {  	_ =	swait.ge [sflag:s23], $0x1  }
0xa9: {  	[sflag:s23] =	ssyncset.done $0x0  }
0xaa: {  	s25 =	simm.s32 $0x1B8E;
	s24 =	sld [smem:$0x3FFE];
	[sflag:s23] =	ssyncadd.s32 $0xFFFFFFFF  }
0xab: {  	s26 =	simm.s32 $execute0_lowered;
	[smem:$0x3FD2] =	sst s25  }
0xac: {  	s5 =	sshll.u32 s26, $0x1;
	_ =	strace $0x80000046;
	[dreg:$0x1] =	wrdreg $0xFFFFFFFF  }
0xad: {  	s28 =	simm.s32 $_size_execute0_lowered;
	s3 =	sadd.s32 s3, s5;
	[dreg:$0x0] =	wrdreg $0x0  }
0xae: {  	s5 =	sshll.u32 s28, $0x1;
	[dreg:$0x2] =	wrdreg s3  }
0xaf: {  	[dreg:$0x3] =	wrdreg s5  }
0xb0: {  	[dreg:$0x4] =	wrdreg $0xC0  }
0xb1: {  	_ =	task [dreg:s7], $0x5FFFF  }
0xb2: {  	[dreg:$0x1] =	wrdreg $0xFFFFFFFF  }
0xb3: {  	[dreg:$0x0] =	wrdreg $0x60  }
0xb4: {  	[dreg:$0x2] =	wrdreg s24  }
0xb5: {  	[dreg:$0x3] =	wrdreg s16  }
0xb6: {  	[dreg:$0x4] =	wrdreg $0x9  }
0xb7: {  	_ =	task.clear_ibuf [dreg:s7], $0x5FFFF;
	_ =	strace $0x90000046  }
0xb8: {  	s29 =	simm.s32 $0x9;
	_ =	strace $0x80000048  }
0xb9: {  	_ =	swait.ge [sflag:s29], $0x1  }
0xba: {  	[sflag:s29] =	ssyncadd.s32 $0xFFFFFFFF  }
0xbb: {  	_ =	strace $0x90000048  }
0xbc: {  	_ =	sfence  }
0xbd: {  	s30 =	sld [smem:$0x0];
	_ =	sdelay $0x2  }
0xbe: {  	s31 =	sshll.u32 s1, $0xD;
	s1 =	sshrl.u32 s1, $0x2  }
0xbf: {  	s3 =	sand.u32 $0x4000, s31;
	s1 =	sadd.s32 s1, s30  }
0xc0: {  	s0 =	sor.u32 s3, s0;
	s1 =	sshll.u32 s1, $0x11  }
0xc1: {  	s0 =	sor.u32 s1, s0  }
0xc2: {  	s0 =	sadd.s32 $0x8F2B, s0  }
0xc3: {  	[sflag:s0] =	ssyncadd.remote.s32 $0x1  }
0xc4: {  	_ =	sfence.sel $0xFFFF  }
0xc5: {  	[dreg:$0x0] =	wrdreg $0xFFFFFFFF;
	(pc) =	sbr.abs _section_cstart, $3  }
0xc6: {  	[dreg:$0x1] =	wrdreg $0xFFFFFFFF  }
0xc7: {  	_ =	task.clear_ibuf [dreg:s7], $0x2FFFF;
	_ =	strace $0x9FFFFFFF  }
0xc8: {  	(tm) =	ssettm $0x7FFFFFFF  }
0xc9: {  	_ =	shalt  }
tec
execute0_lowered:
.L_overlay_start_1:
0x0: {  	(tag) =	ssettag $0x1  }
0x1: {  	s1 =	srdreg.scid;
	s4 =	rddreg [dreg:$0x0]  }
0x2: {  	s0 =	stileid.u32;
	s6 =	rddreg [dreg:$0x1];
	s3 =	sand.u32 $0x1, s1  }
0x3: {  	s2 =	simm.s32 $0x0;
	s26 =	sshrl.u32 s0, $0x3;
	s5 =	smul.u32 $0x4E800, s3  }
0x4: {  	s9 =	simm.s32 $0x4E80;
	s1 =	rddreg [dreg:$0x2];
	s7 =	smul.u32 $0x27400, s26  }
0x5: {  	s10 =	simm.s32 $0x0;
	s8 =	sshll.u32 s0, $0x7;
	[smem:$0x7FF] =	sst s2  }
0x6: {  	s28 =	sand.u32 $0x380, s8;
	s29 =	sshll.u32 s3, $0x4;
	s5 =	sadd.s32 s5, s7  }
0x7: {  	s3 =	ssub.s32 $0x2, s3;
	s30 =	sor.u32 s0, s29;
	s5 =	sor.u32 s28, s5  }
0x8: {  	_ =	strace $0x80000047;
	s7 =	smul.u32 $0x280, s30;
	s5 =	sshrl.u32 s5, $0x3  }
0x9: {  	s8 =	simm.s32 $0x1;
	s31 =	sshrl.u32 s3, $0x1;
	s4 =	sadd.s32 s5, s4  }
0xa: {  	v1 =	vlaneseq.u32;
	s5 =	ssub.s32 s3, s31;
	s3 =	sadd.s32 $0xA00, s4;
	s4 =	sadd.s32 s6, s7  }
0xb: {  	v0 =	vimm.f32 $0.0e+00;
	v2 =	vimm.f32 $1.000000000e+00;
	v1 =	vmul.u32 $0x1400, v1;
	s5 =	smax.u32 s5, $0x1;
	s6 =	simm.s32 $0x80;
	s7 =	simm.s32 $0x400  }
.LBB2_1:
0xc: {  	[tilespmem:s2], [sflag:$0x1] =	stream.strided.gather [hbm4b:s3+s6], $0x4E80, s7, s6, $0x38;
	[tilespmem:$0x18E80] =	vst v63  }
0xd: {  	_ =	swait.ge [sflag:s8], $0x4E80  }
0xe: {  	[sflag:s8] =	ssyncset.done $0x0  }
0xf: {  	s11 =	simm.s32 $0x40;
	s12 =	simm.s32 $0x0;
	[sflag:s8] =	ssyncadd.s32 $0xFFFFB180  }
.LBB2_2:
0x10: {  	p0 =	sne.s32 s11, $0x4FFC0;
	[tilespmem:s12+$0x4E80] =	vst v0;
	s12 =	smov.u32 s11;
	s11 =	sadd.s32 $0x40, s11  }
.Ltmp0:
0x11: {  	(pc) =	sbr.rel @p0 .LBB2_2-.Ltmp0, $2  }
0x12: {  	_ =	sdelay $0x2  }
0x13: {  	s12 =	sshra.s32 s12, $0x2  }
0x14: {  	[tilespmem:s12+$0x4E80] =	vst v0;
	s12 =	simm.s32 $0x0;
	s14 =	simm.s32 $0x0;
	s13 =	simm.s32 $0x40  }
.LBB2_4:
0x15: {  	p0 =	sne.s32 s13, $0x13840;
	v3 =	vld [tilespmem:s14+$0x0];
	_ =	sdelay $0x4  }
0x16: {  	v3 =	vadd.s32 v1, v3  }
.Ltmp1:
0x17: {  	(pc) =	sbr.rel @p0 .LBB2_4-.Ltmp1, $3  }
0x18: {  	_ =	sdelay $0x1  }
0x19: {  	s11 =	simm.s32 $0x4E80  }
0x1a: {  	s14 =	sshra.s32 s13, $0x2;
	s13 =	sadd.s32 $0x40, s13;
	[tilespmem:v3+s11+$0x0] =	vst.idx.add.f32.msk $0xffff, v2  }
0x1b: {  	v3 =	vld [tilespmem:s14+$0x0];
	_ =	sdelay $0x4  }
0x1c: {  	v3 =	vadd.s32 v1, v3;
	_ =	sdelay $0x4  }
0x1d: {  	s12 =	sand.u32 $0x1FF0, s12;
	[tilespmem:v3+s11+$0x0] =	vst.idx.add.f32.msk $0xffff, v2  }
0x1e: {  	s13 =	simm.s32 $0x10;
	v3 =	vld [tilespmem:s12+$0x6280]  }
.LBB2_6:
0x1f: {  	p0 =	sne.s32 s13, $0x13F0;
	v4 =	vld [tilespmem:s11+$0x0];
	_ =	sdelay $0x1  }
0x20: {  	v5 =	vld [tilespmem:s12+$0x7680];
	_ =	sdelay $0x1  }
0x21: {  	v6 =	vld [tilespmem:s12+$0x8A80]  }
0x22: {  	v3 =	vadd.f32 v3, v4  }
0x23: {  	v4 =	vld [tilespmem:s12+$0x9E80]  }
0x24: {  	v3 =	vadd.f32 v5, v3  }
0x25: {  	v5 =	vld [tilespmem:s12+$0xB280]  }
0x26: {  	v3 =	vadd.f32 v6, v3  }
0x27: {  	v6 =	vld [tilespmem:s12+$0xC680]  }
0x28: {  	v3 =	vadd.f32 v4, v3  }
0x29: {  	v4 =	vld [tilespmem:s12+$0xDA80]  }
0x2a: {  	v3 =	vadd.f32 v5, v3  }
0x2b: {  	v5 =	vld [tilespmem:s12+$0xEE80]  }
0x2c: {  	v3 =	vadd.f32 v6, v3  }
0x2d: {  	v6 =	vld [tilespmem:s12+$0x10280]  }
0x2e: {  	v3 =	vadd.f32 v4, v3  }
0x2f: {  	v4 =	vld [tilespmem:s12+$0x11680]  }
0x30: {  	v3 =	vadd.f32 v5, v3  }
0x31: {  	v5 =	vld [tilespmem:s12+$0x12A80]  }
0x32: {  	v3 =	vadd.f32 v6, v3  }
0x33: {  	v6 =	vld [tilespmem:s12+$0x13E80]  }
0x34: {  	v3 =	vadd.f32 v4, v3  }
0x35: {  	v4 =	vld [tilespmem:s12+$0x15280]  }
0x36: {  	v3 =	vadd.f32 v5, v3  }
0x37: {  	v5 =	vld [tilespmem:s12+$0x16680]  }
0x38: {  	v3 =	vadd.f32 v6, v3  }
0x39: {  	v6 =	vld [tilespmem:s12+$0x17A80]  }
0x3a: {  	v3 =	vadd.f32 v4, v3;
	_ =	sdelay $0x1  }
0x3b: {  	v3 =	vadd.f32 v5, v3  }
.Ltmp2:
0x3c: {  	(pc) =	sbr.rel @p0 .LBB2_6-.Ltmp2, $3  }
0x3d: {  	v3 =	vadd.f32 v6, v3;
	_ =	sdelay $0x1  }
0x3e: {  	s12 =	sand.u32 $0x1FF0, s13;
	[tilespmem:s11+$0x0] =	vst v3  }
0x3f: {  	s13 =	sadd.s32 $0x10, s13;
	s11 =	sadd.s32 $0x10, s11;
	v3 =	vld [tilespmem:s12+$0x6280]  }
0x40: {  	v4 =	vld [tilespmem:s11+$0x0];
	_ =	sdelay $0x1  }
0x41: {  	v5 =	vld [tilespmem:s12+$0x7680];
	_ =	sdelay $0x1  }
0x42: {  	v6 =	vld [tilespmem:s12+$0x8A80]  }
0x43: {  	v3 =	vadd.f32 v3, v4  }
0x44: {  	v52 =	vld [tilespmem:s12+$0x9E80]  }
0x45: {  	v3 =	vadd.f32 v5, v3  }
0x46: {  	v53 =	vld [tilespmem:s12+$0xB280]  }
0x47: {  	v3 =	vadd.f32 v6, v3  }
0x48: {  	v54 =	vld [tilespmem:s12+$0xC680]  }
0x49: {  	v3 =	vadd.f32 v52, v3  }
0x4a: {  	v55 =	vld [tilespmem:s12+$0xDA80]  }
0x4b: {  	v3 =	vadd.f32 v53, v3  }
0x4c: {  	v56 =	vld [tilespmem:s12+$0xEE80]  }
0x4d: {  	v3 =	vadd.f32 v54, v3  }
0x4e: {  	v57 =	vld [tilespmem:s12+$0x10280]  }
0x4f: {  	v3 =	vadd.f32 v55, v3  }
0x50: {  	v58 =	vld [tilespmem:s12+$0x11680]  }
0x51: {  	v3 =	vadd.f32 v56, v3  }
0x52: {  	v59 =	vld [tilespmem:s12+$0x12A80]  }
0x53: {  	v3 =	vadd.f32 v57, v3  }
0x54: {  	v60 =	vld [tilespmem:s12+$0x13E80]  }
0x55: {  	v3 =	vadd.f32 v58, v3  }
0x56: {  	v61 =	vld [tilespmem:s12+$0x15280]  }
0x57: {  	v3 =	vadd.f32 v59, v3  }
0x58: {  	v62 =	vld [tilespmem:s12+$0x16680]  }
0x59: {  	v3 =	vadd.f32 v60, v3  }
0x5a: {  	v63 =	vld [tilespmem:s12+$0x17A80]  }
0x5b: {  	v3 =	vadd.f32 v61, v3;
	_ =	sdelay $0x1  }
0x5c: {  	v3 =	vadd.f32 v62, v3;
	_ =	sdelay $0x1  }
0x5d: {  	s10 =	sadd.s32 $0x1, s10;
	v3 =	vadd.f32 v63, v3  }
0x5e: {  	p0 =	sne.s32 s10, s5  }
.Ltmp3:
0x5f: {  	[tilespmem:s11+$0x0] =	vst v3;
	(pc) =	sbr.rel @p0 .LBB2_1-.Ltmp3, $4  }
0x60: {  	[hbm4b:s4+s2] =	stream.linear.scatter [tilespmem:s9], [sflag:$0x1], $0x1400, $0x38;
	[tilespmem:$0x18E80] =	vst v63  }
0x61: {  	_ =	swait.ge [sflag:s8], $0x1400  }
0x62: {  	[sflag:s8] =	ssyncset.done $0x0  }
0x63: {  	[sflag:s8] =	ssyncadd.s32 $0xFFFFEC00  }
0x64: {  	_ =	sfence.sel $0x180000  }
0x65: {  	[bflag:$0x0] =	sbarrier.arrive $0xFFFF  }
0x66: {  	p0 =	sne.s32 s0, $0x0;
	_ =	strace $0x90000047  }
0x67: {  	s0 =	sadd.s32 @!p0 $0x100000, s1;
	[bflag:$0x2] =	sbarrier.arrive $0xFFFF  }
0x68: {  	[sflag:s0] =	ssyncadd.tile.s32 @!p0 $0x1;
	_ =	shalt  }
.Lfunc_end2:
_tile_overlayer_lowered:
.L_overlay_start_2:
0x69: {  	(tag) =	ssettag $0x2  }
0x6a: {  	s0 =	rddreg [dreg:$0x0];
	s2 =	stileid.u32  }
0x6b: {  	s1 =	rddreg [dreg:$0x1];
	p0 =	sne.s32 s2, $0x0  }
0x6c: {  	s3 =	rddreg [dreg:$0x2];
	[bflag:$0x3] =	sbarrier.arrive $0xFFFF;
	s2 =	simm.s32 @!p0 $0x1C01  }
0x6d: {  	[timem:s3], [sflag:s2] =	dma.local @!p0 [hbm:s0], s1  }
0x6e: {  	s0 =	simm.s32 @!p0 $0x1  }
0x6f: {  	_ =	swait.ge @!p0 [sflag:s0], s1  }
0x70: {  	s1 =	ssub.s32 @!p0 $0x0, s1;
	[sflag:s0] =	ssyncset.done @!p0 $0x0  }
0x71: {  	[sflag:s0] =	ssyncadd.s32 @!p0 s1  }
0x72: {  	[bflag:$0x3] =	sbarrier.arrive $0xFFFF  }
0x73: {  	_ =	shalt  }

// kernel: kernel.8.cloned.1.call-start
scs
__scs_entry_jumppad:
0x0: {  	(pc) =	sbr.rel $0x88, $3  }
0x1: {  	(tag) =	ssettag $0x0;
	lr =	simm.s32 $0x1  }
0x2: {  	[smem:$0x3F99] =	sst lr;
	_ =	strace $0xD0000000  }
0x3: {  	_ = 	snop  }
0x4: {  	_ = 	snop  }
0x5: {  	_ = 	snop  }
0x6: {  	_ = 	snop  }
0x7: {  	_ = 	snop  }
__scs_overlays_trampoline_lowered:
0x8: {  	[smem:$0x3FA8] =	sst s0  }
0x9: {  	[smem:$0x3FA9] =	sst s1  }
0xa: {  	[smem:$0x3FAA] =	sst s2  }
0xb: {  	[smem:$0x3FAB] =	sst s3  }
0xc: {  	[smem:$0x3FAC] =	sst s4  }
0xd: {  	[smem:$0x3FAD] =	sst s5  }
0xe: {  	[smem:$0x3FAE] =	sst s6  }
0xf: {  	[smem:$0x3FAF] =	sst s7  }
0x10: {  	[smem:$0x3FB0] =	sst s8  }
0x11: {  	[smem:$0x3FB1] =	sst s9;
	s0 =	simm.s32 @!p0 $0x0  }
0x12: {  	s1 =	sld [smem:$0x3F97];
	s0 =	simm.s32 @p0 $0x1  }
0x13: {  	[smem:$0x3FB2] =	sst s0;
	s0 =	simm.s32 @!p1 $0x0  }
0x14: {  	s2 =	sld [smem:$0x3F96];
	s0 =	simm.s32 @p1 $0x1  }
0x15: {  	[smem:$0x3FB3] =	sst s0;
	s0 =	simm.s32 @!p2 $0x0  }
0x16: {  	s3 =	sld [smem:$0x3FDB];
	s0 =	simm.s32 @p2 $0x1  }
0x17: {  	s4 =	simm.s32 $0x1BF5;
	[smem:$0x3FB5] =	sst s0  }
0x18: {  	s0 =	sld [smem:$0x3F98];
	_ =	swait.ge [sflag:s4], $0x0  }
0x19: {  	s7 =	sld [smem:$0x3F99]  }
0x1a: {  	s8 =	sadd.s32 $0xFFFFE003, lr  }
0x1b: {  	s9 =	sadd.s32 $0xFFFFFEF7, lr;
	s5 =	simm.s32 $0xFFFFFFFF;
	p2 =	slt.u32 s8, $0xFFFFF086  }
0x1c: {  	p1 =	slt.u32 s9, $0xF7A;
	s5 =	simm.s32 @!p2 $0x0  }
0x1d: {  	s5 =	simm.s32 @p1 $0x1;
	p0 =	seq.s32 s7, s2  }
0x1e: {  	s7 =	smul.u32 @!p0 $0xF7A, s2;
	p2 =	seq.s32 @!p0 s5, $0x0  }
0x1f: {  	s9 =	smul.u32 $0xF7A, s1;
	s8 =	simm.s32 @!p0 $0x1BF5;
	p2 =	por !p2, p0  }
0x20: {  	[sflag:s8] =	ssyncset.s32 @!p0 $0xFFFFF086;
	s6 =	sadd.s32 @!p0 s3, s7;
	s7 =	simm.s32 @!p0 $0x108  }
0x21: {  	s3 =	sadd.s32 s3, s9;
	s6 =	sadd.s32 @!p0 $0x88, s6;
	s7 =	simm.s32 @p2 $0x1082  }
0x22: {  	[simem:s7], [sflag:s8] =	dma.local @!p0 [hbm:s6], $0xF7A  }
0x23: {  	s9 =	sor.u32 $0xD0000000, s2;
	s6 =	simm.s32 $0x108;
	_ =	swait.ge @!p0 [sflag:s8], $0x0  }
0x24: {  	s3 =	sadd.s32 $0x88, s3;
	s6 =	simm.s32 @!p1 $0x1082;
	[sflag:s4] =	ssyncset.s32 $0xFFFFF086  }
0x25: {  	[simem:s6], [sflag:s4] =	dma.local [hbm:s3], $0xF7A  }
0x26: {  	[smem:$0x3F99] =	sst s1;
	(tag) =	ssettag s2;
	_ =	strace s9  }
0x27: {  	s1 =	sld [smem:$0x3FA9]  }
0x28: {  	s2 =	sld [smem:$0x3FAA]  }
0x29: {  	s4 =	sld [smem:$0x3FAC]  }
0x2a: {  	p0 =	seq.s32 s5, $0x0;
	s5 =	sld [smem:$0x3FAD]  }
0x2b: {  	s6 =	sld [smem:$0x3FAE]  }
0x2c: {  	s7 =	sld [smem:$0x3FAF]  }
0x2d: {  	s3 =	simm.s32 $0x108;
	s8 =	sld [smem:$0x3FB0]  }
0x2e: {  	s3 =	simm.s32 @!p0 $0x1082;
	s9 =	sld [smem:$0x3FB1]  }
0x2f: {  	lr =	sadd.s32 s0, s3;
	s0 =	sld [smem:$0x3FA8]  }
0x30: {  	s3 =	sld [smem:$0x3FAB]  }
0x31: {  	[smem:$0x3FB4] =	sst s10  }
0x32: {  	s10 =	sld [smem:$0x3FB2];
	_ =	sdelay $0x3  }
0x33: {  	p0 =	seq.s32 s10, $0x1;
	s10 =	sld [smem:$0x3FB4];
	_ =	sdelay $0x3  }
0x34: {  	[smem:$0x3FB4] =	sst s10  }
0x35: {  	s10 =	sld [smem:$0x3FB3];
	_ =	sdelay $0x3  }
0x36: {  	p1 =	seq.s32 s10, $0x1;
	s10 =	sld [smem:$0x3FB4];
	_ =	sdelay $0x3  }
0x37: {  	[smem:$0x3FB4] =	sst s10  }
0x38: {  	s10 =	sld [smem:$0x3FB5]  }
0x39: {  	_ = 	snop;
	(pc) =	sbr.ind lr, $3  }
0x3a: {  	_ = 	snop  }
0x3b: {  	_ = 	snop  }
0x3c: {  	p2 =	seq.s32 s10, $0x1;
	s10 =	sld [smem:$0x3FB4]  }
0x3d: {  	_ =	shalt  }
0x3e: {  	_ =	shalt  }
0x3f: {  	_ =	shalt  }
0x40: {  	_ =	shalt  }
0x41: {  	_ =	shalt  }
0x42: {  	_ =	shalt  }
0x43: {  	_ =	shalt  }
0x44: {  	_ =	shalt  }
0x45: {  	_ =	shalt  }
0x46: {  	_ =	shalt  }
0x47: {  	_ =	shalt  }
0x48: {  	_ =	shalt  }
0x49: {  	_ =	shalt  }
0x4a: {  	_ =	shalt  }
0x4b: {  	_ =	shalt  }
0x4c: {  	_ =	shalt  }
0x4d: {  	_ =	shalt  }
0x4e: {  	_ =	shalt  }
0x4f: {  	_ =	shalt  }
0x50: {  	_ =	shalt  }
0x51: {  	_ =	shalt  }
0x52: {  	_ =	shalt  }
0x53: {  	_ =	shalt  }
0x54: {  	_ =	shalt  }
0x55: {  	_ =	shalt  }
0x56: {  	_ =	shalt  }
0x57: {  	_ =	shalt  }
0x58: {  	_ =	shalt  }
0x59: {  	_ =	shalt  }
0x5a: {  	_ =	shalt  }
0x5b: {  	_ =	shalt  }
0x5c: {  	_ =	shalt  }
0x5d: {  	_ =	shalt  }
0x5e: {  	_ =	shalt  }
0x5f: {  	_ =	shalt  }
0x60: {  	_ =	shalt  }
0x61: {  	_ =	shalt  }
0x62: {  	_ =	shalt  }
0x63: {  	_ =	shalt  }
0x64: {  	_ =	shalt  }
0x65: {  	_ =	shalt  }
0x66: {  	_ =	shalt  }
0x67: {  	_ =	shalt  }
0x68: {  	_ =	shalt  }
0x69: {  	_ =	shalt  }
0x6a: {  	_ =	shalt  }
0x6b: {  	_ =	shalt  }
0x6c: {  	_ =	shalt  }
0x6d: {  	_ =	shalt  }
0x6e: {  	_ =	shalt  }
0x6f: {  	_ =	shalt  }
0x70: {  	_ =	shalt  }
0x71: {  	_ =	shalt  }
0x72: {  	_ =	shalt  }
0x73: {  	_ =	shalt  }
0x74: {  	_ =	shalt  }
0x75: {  	_ =	shalt  }
0x76: {  	_ =	shalt  }
0x77: {  	_ =	shalt  }
0x78: {  	_ =	shalt  }
0x79: {  	_ =	shalt  }
0x7a: {  	_ =	shalt  }
0x7b: {  	_ =	shalt  }
0x7c: {  	_ =	shalt  }
0x7d: {  	_ =	shalt  }
0x7e: {  	_ =	shalt  }
0x7f: {  	_ =	shalt  }
0x80: {  	_ =	shalt  }
0x81: {  	_ =	shalt  }
0x82: {  	_ =	shalt  }
0x83: {  	_ =	shalt  }
0x84: {  	_ =	shalt  }
0x85: {  	_ =	shalt  }
0x86: {  	_ =	shalt  }
0x87: {  	_ =	shalt  }
.Lfunc_end0:
.L_simem_size_0:
called_computation.1_lowered:
.L_overlay_start_0:
0x88: {  	s2 =	sld [smem:$0x3FD9]  }
0x89: {  	s3 =	sld [smem:$0x3FFE];
	_ =	sdelay $0x1  }
0x8a: {  	s1 =	srdreg.scid  }
0x8b: {  	s0 =	sand.u32 $0x1, s1  }
0x8c: {  	s14 =	sshll.u32 s0, $0xA;
	s2 =	sadd.s32 s3, s2  }
0x8d: {  	s2 =	sadd.s32 s2, s14  }
0x8e: {  	[smem:$0x3FC0] =	sst s2  }
0x8f: {  	_ = 	snop  }
0x90: {  	s2 =	sld [smem:$0x3FD0];
	_ =	sdelay $0x2  }
0x91: {  	s15 =	simm.s32 $0xA;
	s4 =	simm.s32 $0x10  }
0x92: {  	[smem:s4], [sflag:s15] =	dma.local [hbm:s2], $0x1  }
0x93: {  	_ =	swait.eq [sflag:s15], $0x1  }
0x94: {  	[sflag:s15] =	ssyncset.done $0x0  }
0x95: {  	[sflag:s15] =	ssyncadd.s32 $0xFFFFFFFF  }
0x96: {  	s16 =	sld [smem:$0x10];
	(tm) =	ssettm $0x1  }
0x97: {  	s17 =	sld [smem:$0x3FFB];
	_ =	sdelay $0x3  }
0x98: {  	_ =	strace s17  }
0x99: {  	s3 =	sld [smem:$0x3FFC];
	_ =	sdelay $0x3  }
0x9a: {  	_ =	strace s3  }
0x9b: {  	s3 =	sld [smem:$0x3FFD];
	_ =	sdelay $0x3  }
0x9c: {  	_ =	strace s3  }
0x9d: {  	_ =	strace $0x8FFFFFFF  }
0x9e: {  	s18 =	sld [smem:$0x3FDB];
	_ =	sdelay $0x1  }
0x9f: {  	s19 =	simm.s32 $_scs_section_size  }
0xa0: {  	s5 =	simm.s32 $_size__tile_overlayer_lowered;
	s6 =	simm.s32 $_tile_overlayer_lowered  }
0xa1: {  	s22 =	simm.s32 $0x1BFF;
	s21 =	sshll.u32 s6, $0x1;
	s3 =	sadd.s32 s19, s18  }
0xa2: {  	s7 =	simm.s32 $0x0;
	s20 =	sshll.u32 s5, $0x1;
	s5 =	sadd.s32 s21, s3  }
0xa3: {  	[timem:s7], [sflag:s22] =	dma.local [hbm:s5], s20  }
0xa4: {  	_ =	swait.ge [sflag:s22], s20  }
0xa5: {  	s4 =	ssub.s32 $0x0, s20;
	[sflag:s22] =	ssyncset.done $0x0  }
0xa6: {  	[sflag:s22] =	ssyncadd.s32 s4;
	_ =	sdelay $0x1  }
0xa7: {  	s23 =	simm.s32 $0x1B8B  }
0xa8: {  	_ =	swait.ge [sflag:s23], $0x1  }
0xa9: {  	[sflag:s23] =	ssyncset.done $0x0  }
0xaa: {  	s25 =	simm.s32 $0x1B8E;
	s24 =	sld [smem:$0x3FFE];
	[sflag:s23] =	ssyncadd.s32 $0xFFFFFFFF  }
0xab: {  	s26 =	simm.s32 $execute0_lowered;
	[smem:$0x3FD2] =	sst s25  }
0xac: {  	s5 =	sshll.u32 s26, $0x1;
	_ =	strace $0x80000049;
	[dreg:$0x1] =	wrdreg $0xFFFFFFFF  }
0xad: {  	s28 =	simm.s32 $_size_execute0_lowered;
	s3 =	sadd.s32 s3, s5;
	[dreg:$0x0] =	wrdreg $0x0  }
0xae: {  	s5 =	sshll.u32 s28, $0x1;
	[dreg:$0x2] =	wrdreg s3  }
0xaf: {  	[dreg:$0x3] =	wrdreg s5  }
0xb0: {  	[dreg:$0x4] =	wrdreg $0xC0  }
0xb1: {  	_ =	task [dreg:s7], $0x5FFFF  }
0xb2: {  	[dreg:$0x1] =	wrdreg $0xFFFFFFFF  }
0xb3: {  	[dreg:$0x0] =	wrdreg $0x60  }
0xb4: {  	[dreg:$0x2] =	wrdreg s24  }
0xb5: {  	[dreg:$0x3] =	wrdreg s16  }
0xb6: {  	[dreg:$0x4] =	wrdreg $0x1AD000  }
0xb7: {  	[dreg:$0x5] =	wrdreg $0x9  }
0xb8: {  	_ =	task.clear_ibuf [dreg:s7], $0x6FFFF;
	_ =	strace $0x90000049  }
0xb9: {  	s29 =	simm.s32 $0x9;
	_ =	strace $0x8000004B  }
0xba: {  	_ =	swait.ge [sflag:s29], $0x1  }
0xbb: {  	[sflag:s29] =	ssyncadd.s32 $0xFFFFFFFF  }
0xbc: {  	_ =	strace $0x9000004B  }
0xbd: {  	_ =	sfence  }
0xbe: {  	s30 =	sld [smem:$0x0];
	_ =	sdelay $0x2  }
0xbf: {  	s31 =	sshll.u32 s1, $0xD;
	s1 =	sshrl.u32 s1, $0x2  }
0xc0: {  	s3 =	sand.u32 $0x4000, s31;
	s1 =	sadd.s32 s1, s30  }
0xc1: {  	s0 =	sor.u32 s3, s0;
	s1 =	sshll.u32 s1, $0x11  }
0xc2: {  	s0 =	sor.u32 s1, s0  }
0xc3: {  	s0 =	sadd.s32 $0x8F2B, s0  }
0xc4: {  	[sflag:s0] =	ssyncadd.remote.s32 $0x1  }
0xc5: {  	_ =	sfence.sel $0xFFFF  }
0xc6: {  	[dreg:$0x0] =	wrdreg $0xFFFFFFFF;
	(pc) =	sbr.abs _section_cstart, $3  }
0xc7: {  	[dreg:$0x1] =	wrdreg $0xFFFFFFFF  }
0xc8: {  	_ =	task.clear_ibuf [dreg:s7], $0x2FFFF;
	_ =	strace $0x9FFFFFFF  }
0xc9: {  	(tm) =	ssettm $0x7FFFFFFF  }
tec
execute0_lowered:
.L_overlay_start_1:
0x0: {  	(tag) =	ssettag $0x1  }
0x1: {  	s5 =	rddreg [dreg:$0x0]  }
0x2: {  	s9 =	rddreg [dreg:$0x1];
	s1 =	srdreg.scid  }
0x3: {  	s0 =	stileid.u32;
	s2 =	rddreg [dreg:$0x2];
	s3 =	simm.s32 $0x0  }
0x4: {  	s15 =	simm.s32 $0x4E80;
	s16 =	simm.s32 $0x15D00;
	s17 =	simm.s32 $0x10D00  }
0x5: {  	s18 =	simm.s32 $0xBD00;
	s19 =	simm.s32 $0x80;
	s7 =	smul.u32 $0x4E80, s0  }
0x6: {  	s20 =	simm.s32 $0x9D00;
	s6 =	sand.u32 $0x1, s1;
	s12 =	smul.u32 $0x5000, s0  }
0x7: {  	s21 =	simm.s32 $0x0;
	s1 =	rddreg [dreg:$0x3];
	s4 =	smul.u32 $0x4E800, s6  }
0x8: {  	[smem:$0x7FF] =	sst s3;
	s11 =	smul.u32 $0x1400, s6;
	s6 =	ssub.s32 $0x2, s6  }
0x9: {  	s8 =	smul.u32 $0x140, s0;
	_ =	strace $0x8000004A;
	s30 =	sshrl.u32 s6, $0x1  }
0xa: {  	s31 =	sshrl.u32 s12, $0x3;
	s10 =	sadd.s32 s7, s4;
	s4 =	sadd.s32 $0x31C00, s5  }
0xb: {  	s7 =	sshrl.u32 s7, $0x3;
	s8 =	sadd.s32 s8, s11;
	s14 =	ssub.s32 s6, s30  }
0xc: {  	s9 =	sadd.s32 s9, s31;
	s10 =	sshrl.u32 s10, $0x3;
	s11 =	sshll.u32 s8, $0x3  }
0xd: {  	s7 =	sadd.s32 s7, s5;
	s10 =	sadd.s32 s10, s5;
	s13 =	sadd.s32 s11, s5  }
0xe: {  	s5 =	sadd.s32 $0x59C00, s5;
	s7 =	sadd.s32 $0x14400, s7;
	s6 =	sadd.s32 $0x1E200, s10  }
0xf: {  	s8 =	sadd.s32 $0x45C00, s13;
	s10 =	sadd.s32 s12, s2;
	s11 =	sadd.s32 s5, s11  }
0x10: {  	v0 =	vimm.f32 $0.0e+00;
	s12 =	sadd.s32 $0x6DC00, s13;
	s13 =	smax.u32 s14, $0x1;
	s14 =	simm.s32 $0x1  }
.LBB2_1:
0x11: {  	[tilespmem:s3], [sflag:$0x1] =	stream.linear.gather [hbm4b:s6+s3], $0x4E80, $0x38;
	[tilespmem:$0x1FD00] =	vst v63  }
0x12: {  	_ =	swait.ge [sflag:s14], $0x4E80  }
0x13: {  	[sflag:s14] =	ssyncset.done $0x0  }
0x14: {  	[sflag:s14] =	ssyncadd.s32 $0xFFFFB180  }
0x15: {  	[tilespmem:s15], [sflag:$0x1] =	stream.linear.gather [hbm4b:s7+s3], $0x4E80, $0x38;
	[tilespmem:$0x1FD00] =	vst v63  }
0x16: {  	_ =	swait.ge [sflag:s14], $0x4E80  }
0x17: {  	[sflag:s14] =	ssyncset.done $0x0  }
0x18: {  	[sflag:s14] =	ssyncadd.s32 $0xFFFFB180  }
0x19: {  	[tilespmem:s16], [sflag:$0x1] =	stream.linear.gather [hbm4b:s8+s3], $0x5000, $0x38;
	[tilespmem:$0x1FD00] =	vst v63  }
0x1a: {  	_ =	swait.ge [sflag:s14], $0x5000  }
0x1b: {  	[sflag:s14] =	ssyncset.done $0x0  }
0x1c: {  	[sflag:s14] =	ssyncadd.s32 $0xFFFFB000  }
0x1d: {  	[tilespmem:s17], [sflag:$0x1] =	stream.linear.gather [hbm4b:s9+s3], $0x5000, $0x38;
	[tilespmem:$0x1FD00] =	vst v63  }
0x1e: {  	_ =	swait.ge [sflag:s14], $0x5000  }
0x1f: {  	[sflag:s14] =	ssyncset.done $0x0  }
0x20: {  	s23 =	simm.s32 $0x100;
	s22 =	simm.s32 $0x0;
	[sflag:s14] =	ssyncadd.s32 $0xFFFFB000  }
.LBB2_2:
0x21: {  	p0 =	sne.s32 s23, $0x13F00;
	[tilespmem:s22+$0xBD30] =	vst v0;
	s24 =	smov.u32 s23;
	s23 =	sadd.s32 $0x100, s23  }
.Ltmp0:
0x22: {  	[tilespmem:s22+$0xBD20] =	vst v0;
	(pc) =	sbr.rel @p0 .LBB2_2-.Ltmp0, $3  }
0x23: {  	[tilespmem:s22+$0xBD00] =	vst v0  }
0x24: {  	[tilespmem:s22+$0xBD10] =	vst v0;
	_ =	sdelay $0x1  }
0x25: {  	s22 =	sshra.s32 s24, $0x2  }
0x26: {  	[tilespmem:s22+$0xBD30] =	vst v0  }
0x27: {  	[tilespmem:s22+$0xBD20] =	vst v0  }
0x28: {  	[tilespmem:s22+$0xBD00] =	vst v0  }
0x29: {  	[tilespmem:s22+$0xBD10] =	vst v0  }
0x2a: {  	[spmem:s10] =	stream.linear.scatter [tilespmem:s18], [sflag:$0x1], $0x5000, $0x38;
	[tilespmem:$0x1FD00] =	vst v63  }
0x2b: {  	_ =	swait.ge [sflag:s14], $0x5000  }
0x2c: {  	[sflag:s14] =	ssyncset.done $0x0  }
0x2d: {  	[sflag:s14] =	ssyncadd.s32 $0xFFFFB000  }
0x2e: {  	s30 =	simm.s32 $0x0;
	[bflag:$0x0] =	sbarrier.arrive $0xFFFF  }
0x2f: {  	[tilespmem:s20], [sflag:$0x1] =	stream.indirect.gather [hbm4b:s4+s19], $0x40, s30, s19, $0xb8;
	[tilespmem:$0x1FD00] =	vst v63  }
0x30: {  	_ =	swait.ge [sflag:s14], $0x2000  }
0x31: {  	[sflag:s14] =	ssyncset.done $0x0  }
0x32: {  	s31 =	simm.s32 $0x4E80;
	[sflag:s14] =	ssyncadd.s32 $0xFFFFE000  }
0x33: {  	[spmem:s2] =	stream.indirect.scatter.add.f32 [tilespmem:s20], [sflag:$0x1], $0x40, s31, s19, $0xb8;
	[tilespmem:$0x1FD00] =	vst v63  }
0x34: {  	_ =	swait.ge [sflag:s14], $0x2000  }
0x35: {  	s22 =	simm.s32 $0x200;
	s23 =	simm.s32 $0x400;
	[sflag:s14] =	ssyncset.done $0x0  }
.LBB2_4:
0x36: {  	s24 =	sshra.s32 s22, $0x2  }
0x37: {  	[sflag:s14] =	ssyncadd.s32 $0xFFFFE000;
	s22 =	smov.u32 s23;
	s25 =	sadd.s32 $0x200, s23  }
0x38: {  	[tilespmem:s20], [sflag:$0x1] =	stream.indirect.gather [hbm4b:s4+s19], $0x40, s24, s19, $0xb8;
	[tilespmem:$0x1FD00] =	vst v63  }
0x39: {  	p0 =	sne.s32 s23, $0x13800;
	_ =	swait.ge [sflag:s14], $0x2000  }
.Ltmp1:
0x3a: {  	[sflag:s14] =	ssyncset.done $0x0;
	(pc) =	sbr.rel @p0 .LBB2_4-.Ltmp1, $4  }
0x3b: {  	s23 =	sadd.s32 $0x4E80, s24;
	[sflag:s14] =	ssyncadd.s32 $0xFFFFE000  }
0x3c: {  	[spmem:s2] =	stream.indirect.scatter.add.f32 [tilespmem:s20], [sflag:$0x1], $0x40, s23, s19, $0xb8;
	[tilespmem:$0x1FD00] =	vst v63  }
0x3d: {  	_ =	swait.ge [sflag:s14], $0x2000  }
0x3e: {  	s23 =	smov.u32 s25;
	[sflag:s14] =	ssyncset.done $0x0  }
0x3f: {  	s22 =	sshra.s32 s22, $0x2;
	[sflag:s14] =	ssyncadd.s32 $0xFFFFE000  }
0x40: {  	[tilespmem:s20], [sflag:$0x1] =	stream.indirect.gather [hbm4b:s4+s19], $0x40, s22, s19, $0xb8;
	[tilespmem:$0x1FD00] =	vst v63  }
0x41: {  	_ =	swait.ge [sflag:s14], $0x2000  }
0x42: {  	[sflag:s14] =	ssyncset.done $0x0  }
0x43: {  	s22 =	sadd.s32 $0x4E80, s22;
	[sflag:s14] =	ssyncadd.s32 $0xFFFFE000  }
0x44: {  	[spmem:s2] =	stream.indirect.scatter.add.f32 [tilespmem:s20], [sflag:$0x1], $0x40, s22, s19, $0xb8;
	[tilespmem:$0x1FD00] =	vst v63  }
0x45: {  	_ =	swait.ge [sflag:s14], $0x2000  }
0x46: {  	[sflag:s14] =	ssyncset.done $0x0  }
0x47: {  	[sflag:s14] =	ssyncadd.s32 $0xFFFFE000  }
0x48: {  	[bflag:$0x0] =	sbarrier.arrive $0xFFFF  }
0x49: {  	[tilespmem:s18], [sflag:$0x1] =	stream.linear.gather [spmem:s10], $0x5000, $0x38;
	[tilespmem:$0x1FD00] =	vst v63  }
0x4a: {  	_ =	swait.ge [sflag:s14], $0x5000  }
0x4b: {  	[sflag:s14] =	ssyncset.done $0x0  }
0x4c: {  	s22 =	simm.s32 $0x0;
	[sflag:s14] =	ssyncadd.s32 $0xFFFFB000  }
0x4d: {  	v1 =	vld [tilespmem:s22+$0x10D30]  }
0x4e: {  	v4 =	vld [tilespmem:s22+$0x10D00]  }
0x4f: {  	v2 =	vld [tilespmem:s22+$0x10D20]  }
0x50: {  	v5 =	vld [tilespmem:s22+$0x15D20]  }
0x51: {  	v8 =	vld [tilespmem:s22+$0xBD20]  }
0x52: {  	v12 =	vld [tilespmem:s22+$0xBD30]  }
0x53: {  	v10 =	vld [tilespmem:s22+$0xBD00]  }
0x54: {  	v3 =	vld [tilespmem:s22+$0x10D10]  }
0x55: {  	v9 =	vld [tilespmem:s22+$0xBD10]  }
0x56: {  	v7 =	vld [tilespmem:s22+$0x15D00]  }
0x57: {  	s23 =	simm.s32 $0x100;
	v6 =	vld [tilespmem:s22+$0x15D10];
	v11 =	vmul.f32 v2, v8;
	v8 =	vmul.f32 v1, v12  }
.LBB2_6:
0x58: {  	s24 =	sshra.s32 s23, $0x2;
	p0 =	sne.s32 s23, $0x13F00;
	s23 =	sadd.s32 $0x100, s23;
	v12 =	vld [tilespmem:s22+$0x15D30]  }
0x59: {  	v10 =	vmul.f32 v4, v10;
	v5 =	vadd.f32 v11, v5;
	v13 =	vmul.f32 v8, v1;
	v1 =	vld [tilespmem:s24+$0x10D30]  }
0x5a: {  	v11 =	vmul.f32 v11, v2;
	v14 =	vld [tilespmem:s24+$0x10D00];
	v9 =	vmul.f32 v3, v9  }
0x5b: {  	v4 =	vmul.f32 v10, v4;
	v2 =	vld [tilespmem:s24+$0x10D20];
	v7 =	vadd.f32 v10, v7;
	[tilespmem:s22+$0x15D20] =	vst v5  }
0x5c: {  	v5 =	vld [tilespmem:s24+$0x15D20];
	v6 =	vadd.f32 v9, v6;
	v9 =	vmul.f32 v9, v3;
	[tilespmem:s22+$0xBD20] =	vst v11  }
0x5d: {  	v11 =	vld [tilespmem:s24+$0xBD20];
	v3 =	vadd.f32 v8, v12;
	[tilespmem:s22+$0xBD30] =	vst v13  }
0x5e: {  	v8 =	vld [tilespmem:s24+$0xBD30];
	[tilespmem:s22+$0xBD00] =	vst v4  }
.Ltmp2:
0x5f: {  	v10 =	vld [tilespmem:s24+$0xBD00];
	[tilespmem:s22+$0x15D30] =	vst v3;
	v4 =	vmov v14;
	(pc) =	sbr.rel @p0 .LBB2_6-.Ltmp2, $4  }
0x60: {  	v3 =	vld [tilespmem:s24+$0x10D10];
	[tilespmem:s22+$0xBD10] =	vst v9  }
0x61: {  	v9 =	vld [tilespmem:s24+$0xBD10];
	[tilespmem:s22+$0x15D00] =	vst v7  }
0x62: {  	v7 =	vld [tilespmem:s24+$0x15D00];
	[tilespmem:s22+$0x15D10] =	vst v6;
	s22 =	smov.u32 s24  }
0x63: {  	v11 =	vmul.f32 v2, v11;
	v6 =	vld [tilespmem:s22+$0x15D10];
	v8 =	vmul.f32 v1, v8  }
0x64: {  	_ = 	snop  }
0x65: {  	v12 =	vld [tilespmem:s22+$0x15D30];
	v5 =	vadd.f32 v11, v5  }
0x66: {  	v10 =	vmul.f32 v4, v10;
	v2 =	vmul.f32 v11, v2  }
0x67: {  	v1 =	vmul.f32 v8, v1;
	v63 =	vmul.f32 v3, v9;
	[tilespmem:s22+$0x15D20] =	vst v5  }
0x68: {  	v4 =	vmul.f32 v10, v4;
	[tilespmem:s22+$0xBD20] =	vst v2  }
0x69: {  	[tilespmem:s22+$0xBD30] =	vst v1;
	v1 =	vmul.f32 v63, v3  }
0x6a: {  	[tilespmem:s22+$0xBD00] =	vst v4;
	v2 =	vadd.f32 v8, v12  }
0x6b: {  	v3 =	vadd.f32 v10, v7;
	[tilespmem:s22+$0xBD10] =	vst v1  }
0x6c: {  	[tilespmem:s22+$0x15D30] =	vst v2;
	v2 =	vadd.f32 v63, v6  }
0x6d: {  	[tilespmem:s22+$0x15D00] =	vst v3  }
0x6e: {  	s31 =	simm.s32 $0x0;
	[tilespmem:s22+$0x15D10] =	vst v2  }
0x6f: {  	[hbm4b:s11+s31] =	stream.linear.scatter [tilespmem:s18], [sflag:$0x1], $0x5000, $0x38;
	[tilespmem:$0x1FD00] =	vst v63  }
0x70: {  	_ =	swait.ge [sflag:s14], $0x5000  }
0x71: {  	[sflag:s14] =	ssyncset.done $0x0  }
0x72: {  	s23 =	simm.s32 $0x100;
	s22 =	simm.s32 $0x0;
	[sflag:s14] =	ssyncadd.s32 $0xFFFFB000  }
.LBB2_8:
0x73: {  	p0 =	sne.s32 s23, $0x13F00;
	[tilespmem:s22+$0xBD30] =	vst v0;
	s24 =	smov.u32 s23;
	s23 =	sadd.s32 $0x100, s23  }
.Ltmp3:
0x74: {  	[tilespmem:s22+$0xBD20] =	vst v0;
	(pc) =	sbr.rel @p0 .LBB2_8-.Ltmp3, $3  }
0x75: {  	[tilespmem:s22+$0xBD00] =	vst v0  }
0x76: {  	[tilespmem:s22+$0xBD10] =	vst v0;
	_ =	sdelay $0x1  }
0x77: {  	s22 =	sshra.s32 s24, $0x2  }
0x78: {  	[tilespmem:s22+$0xBD30] =	vst v0  }
0x79: {  	[tilespmem:s22+$0xBD20] =	vst v0  }
0x7a: {  	[tilespmem:s22+$0xBD00] =	vst v0  }
0x7b: {  	[tilespmem:s22+$0xBD10] =	vst v0  }
0x7c: {  	[spmem:s10] =	stream.linear.scatter [tilespmem:s18], [sflag:$0x1], $0x5000, $0x38;
	[tilespmem:$0x1FD00] =	vst v63  }
0x7d: {  	_ =	swait.ge [sflag:s14], $0x5000  }
0x7e: {  	[sflag:s14] =	ssyncset.done $0x0  }
0x7f: {  	[sflag:s14] =	ssyncadd.s32 $0xFFFFB000  }
0x80: {  	s30 =	simm.s32 $0x0;
	[bflag:$0x0] =	sbarrier.arrive $0xFFFF  }
0x81: {  	[tilespmem:s20], [sflag:$0x1] =	stream.indirect.gather [hbm4b:s5+s19], $0x40, s30, s19, $0xb8;
	[tilespmem:$0x1FD00] =	vst v63  }
0x82: {  	_ =	swait.ge [sflag:s14], $0x2000  }
0x83: {  	[sflag:s14] =	ssyncset.done $0x0  }
0x84: {  	s31 =	simm.s32 $0x4E80;
	[sflag:s14] =	ssyncadd.s32 $0xFFFFE000  }
0x85: {  	[spmem:s2] =	stream.indirect.scatter.add.f32 [tilespmem:s20], [sflag:$0x1], $0x40, s31, s19, $0xb8;
	[tilespmem:$0x1FD00] =	vst v63  }
0x86: {  	_ =	swait.ge [sflag:s14], $0x2000  }
0x87: {  	s22 =	simm.s32 $0x200;
	s23 =	simm.s32 $0x400;
	[sflag:s14] =	ssyncset.done $0x0  }
.LBB2_10:
0x88: {  	s24 =	sshra.s32 s22, $0x2  }
0x89: {  	[sflag:s14] =	ssyncadd.s32 $0xFFFFE000;
	s22 =	smov.u32 s23;
	s25 =	sadd.s32 $0x200, s23  }
0x8a: {  	[tilespmem:s20], [sflag:$0x1] =	stream.indirect.gather [hbm4b:s5+s19], $0x40, s24, s19, $0xb8;
	[tilespmem:$0x1FD00] =	vst v63  }
0x8b: {  	p0 =	sne.s32 s23, $0x13800;
	_ =	swait.ge [sflag:s14], $0x2000  }
.Ltmp4:
0x8c: {  	[sflag:s14] =	ssyncset.done $0x0;
	(pc) =	sbr.rel @p0 .LBB2_10-.Ltmp4, $4  }
0x8d: {  	s23 =	sadd.s32 $0x4E80, s24;
	[sflag:s14] =	ssyncadd.s32 $0xFFFFE000  }
0x8e: {  	[spmem:s2] =	stream.indirect.scatter.add.f32 [tilespmem:s20], [sflag:$0x1], $0x40, s23, s19, $0xb8;
	[tilespmem:$0x1FD00] =	vst v63  }
0x8f: {  	_ =	swait.ge [sflag:s14], $0x2000  }
0x90: {  	s23 =	smov.u32 s25;
	[sflag:s14] =	ssyncset.done $0x0  }
0x91: {  	s22 =	sshra.s32 s22, $0x2;
	[sflag:s14] =	ssyncadd.s32 $0xFFFFE000  }
0x92: {  	[tilespmem:s20], [sflag:$0x1] =	stream.indirect.gather [hbm4b:s5+s19], $0x40, s22, s19, $0xb8;
	[tilespmem:$0x1FD00] =	vst v63  }
0x93: {  	_ =	swait.ge [sflag:s14], $0x2000  }
0x94: {  	[sflag:s14] =	ssyncset.done $0x0  }
0x95: {  	s22 =	sadd.s32 $0x4E80, s22;
	[sflag:s14] =	ssyncadd.s32 $0xFFFFE000  }
0x96: {  	[spmem:s2] =	stream.indirect.scatter.add.f32 [tilespmem:s20], [sflag:$0x1], $0x40, s22, s19, $0xb8;
	[tilespmem:$0x1FD00] =	vst v63  }
0x97: {  	_ =	swait.ge [sflag:s14], $0x2000  }
0x98: {  	[sflag:s14] =	ssyncset.done $0x0  }
0x99: {  	[sflag:s14] =	ssyncadd.s32 $0xFFFFE000  }
0x9a: {  	[bflag:$0x0] =	sbarrier.arrive $0xFFFF  }
0x9b: {  	[tilespmem:s18], [sflag:$0x1] =	stream.linear.gather [spmem:s10], $0x5000, $0x38;
	[tilespmem:$0x1FD00] =	vst v63  }
0x9c: {  	_ =	swait.ge [sflag:s14], $0x5000  }
0x9d: {  	[sflag:s14] =	ssyncset.done $0x0  }
0x9e: {  	s22 =	simm.s32 $0x0;
	[sflag:s14] =	ssyncadd.s32 $0xFFFFB000  }
0x9f: {  	v5 =	vld [tilespmem:s22+$0x15D00]  }
0xa0: {  	v6 =	vld [tilespmem:s22+$0x15D10]  }
0xa1: {  	v4 =	vld [tilespmem:s22+$0x10D00]  }
0xa2: {  	v3 =	vld [tilespmem:s22+$0x10D10]  }
0xa3: {  	v2 =	vld [tilespmem:s22+$0x10D20]  }
0xa4: {  	v1 =	vld [tilespmem:s22+$0x10D30]  }
0xa5: {  	v8 =	vld [tilespmem:s22+$0xBD00]  }
0xa6: {  	v9 =	vld [tilespmem:s22+$0xBD10]  }
0xa7: {  	s23 =	simm.s32 $0x100;
	v7 =	vld [tilespmem:s22+$0xBD20]  }
.LBB2_12:
0xa8: {  	p0 =	sne.s32 s23, $0x13F00;
	v10 =	vld [tilespmem:s22+$0xBD30]  }
0xa9: {  	v11 =	vld [tilespmem:s22+$0x15D20]  }
0xaa: {  	s24 =	sshra.s32 s23, $0x2;
	v4 =	vmul.f32 v4, v8;
	v8 =	vld [tilespmem:s22+$0x15D30]  }
0xab: {  	v12 =	vld [tilespmem:s24+$0x15D00];
	v3 =	vmul.f32 v3, v9  }
0xac: {  	v9 =	vld [tilespmem:s24+$0x15D10];
	v5 =	vadd.f32 v4, v5;
	v2 =	vmul.f32 v2, v7  }
0xad: {  	v4 =	vld [tilespmem:s24+$0x10D00];
	v6 =	vadd.f32 v3, v6;
	v1 =	vmul.f32 v1, v10  }
0xae: {  	v3 =	vld [tilespmem:s24+$0x10D10];
	v13 =	vmul.f32 $3.333333430e-01, v5;
	v7 =	vadd.f32 v2, v11  }
.Ltmp5:
0xaf: {  	v2 =	vld [tilespmem:s24+$0x10D20];
	v11 =	vmul.f32 $3.333333430e-01, v6;
	v10 =	vadd.f32 v1, v8;
	(pc) =	sbr.rel @p0 .LBB2_12-.Ltmp5, $4  }
0xb0: {  	v1 =	vld [tilespmem:s24+$0x10D30];
	[tilespmem:s22+$0xBD00] =	vst v13;
	v7 =	vmul.f32 $3.333333430e-01, v7;
	v5 =	vmov v12  }
0xb1: {  	v8 =	vld [tilespmem:s24+$0xBD00];
	[tilespmem:s22+$0xBD10] =	vst v11;
	v10 =	vmul.f32 $3.333333430e-01, v10;
	v6 =	vmov v9  }
0xb2: {  	v9 =	vld [tilespmem:s24+$0xBD10];
	[tilespmem:s22+$0xBD20] =	vst v7  }
0xb3: {  	s23 =	sadd.s32 $0x100, s23;
	v7 =	vld [tilespmem:s24+$0xBD20];
	[tilespmem:s22+$0xBD30] =	vst v10;
	s22 =	smov.u32 s24  }
0xb4: {  	v10 =	vld [tilespmem:s22+$0xBD30]  }
0xb5: {  	v11 =	vld [tilespmem:s22+$0x15D20]  }
0xb6: {  	v63 =	vld [tilespmem:s22+$0x15D30];
	v4 =	vmul.f32 v4, v8  }
0xb7: {  	v3 =	vmul.f32 v3, v9  }
0xb8: {  	v4 =	vadd.f32 v4, v5;
	v2 =	vmul.f32 v2, v7  }
0xb9: {  	v3 =	vadd.f32 v3, v6;
	v1 =	vmul.f32 v1, v10  }
0xba: {  	v4 =	vmul.f32 $3.333333430e-01, v4;
	v2 =	vadd.f32 v2, v11  }
0xbb: {  	v3 =	vmul.f32 $3.333333430e-01, v3;
	v1 =	vadd.f32 v1, v63  }
0xbc: {  	[tilespmem:s22+$0xBD00] =	vst v4;
	v2 =	vmul.f32 $3.333333430e-01, v2  }
0xbd: {  	s21 =	sadd.s32 $0x1, s21;
	[tilespmem:s22+$0xBD10] =	vst v3;
	v1 =	vmul.f32 $3.333333430e-01, v1  }
0xbe: {  	p0 =	sne.s32 s21, s13;
	[tilespmem:s22+$0xBD20] =	vst v2  }
.Ltmp6:
0xbf: {  	[tilespmem:s22+$0xBD30] =	vst v1;
	(pc) =	sbr.rel @p0 .LBB2_1-.Ltmp6, $4  }
0xc0: {  	[hbm4b:s12+s3] =	stream.linear.scatter [tilespmem:s18], [sflag:$0x1], $0x5000, $0x38;
	[tilespmem:$0x1FD00] =	vst v63  }
0xc1: {  	_ =	swait.ge [sflag:s14], $0x5000  }
0xc2: {  	[sflag:s14] =	ssyncset.done $0x0  }
0xc3: {  	[sflag:s14] =	ssyncadd.s32 $0xFFFFB000  }
0xc4: {  	_ =	sfence.sel $0x180000  }
0xc5: {  	[bflag:$0x0] =	sbarrier.arrive $0xFFFF  }
0xc6: {  	p0 =	sne.s32 s0, $0x0;
	_ =	strace $0x9000004A  }
0xc7: {  	s0 =	sadd.s32 @!p0 $0x100000, s1;
	[bflag:$0x2] =	sbarrier.arrive $0xFFFF  }
0xc8: {  	[sflag:s0] =	ssyncadd.tile.s32 @!p0 $0x1;
	_ =	shalt  }
.Lfunc_end2:
_tile_overlayer_lowered:
.L_overlay_start_2:
0xc9: {  	(tag) =	ssettag $0x2  }
0xca: {  	s0 =	rddreg [dreg:$0x0];
	s2 =	stileid.u32  }
0xcb: {  	s1 =	rddreg [dreg:$0x1];
	p0 =	sne.s32 s2, $0x0  }
0xcc: {  	s3 =	rddreg [dreg:$0x2];
	[bflag:$0x3] =	sbarrier.arrive $0xFFFF;
	s2 =	simm.s32 @!p0 $0x1C01  }
0xcd: {  	[timem:s3], [sflag:s2] =	dma.local @!p0 [hbm:s0], s1  }
0xce: {  	s0 =	simm.s32 @!p0 $0x1  }
0xcf: {  	_ =	swait.ge @!p0 [sflag:s0], s1  }
0xd0: {  	s1 =	ssub.s32 @!p0 $0x0, s1;
	[sflag:s0] =	ssyncset.done @!p0 $0x0  }
0xd1: {  	[sflag:s0] =	ssyncadd.s32 @!p0 s1  }
0xd2: {  	[bflag:$0x3] =	sbarrier.arrive $0xFFFF  }
0xd3: {  	_ =	shalt  }

</sc_bundles>
